<compile_context>
chip_gen: v7x
topology: tpu7x:2x2x1
jax: 0.10.2.dev20260603
libtpu: 0.0.44.dev20260713+nightly
codegen_flags: <defaults>
</compile_context>

<pallas_src>
import functools

import jax
import jax.numpy as jnp
from jax import lax
from jax.experimental import pallas as pl
from jax.experimental.pallas import tpu as pltpu
from jax.experimental.pallas import tpu_sc as plsc

_N = 10000
_E = 320000
_DS = 128
_DV = 16

_NC = 2
_NS = 16
_NW = _NC * _NS
_EPW = _E // _NW
_CG = 200
_CS = 80

_SW = 176
_DW = 192
_MW = 176

_BN = 2000
_BE = 2000
_BF = 1000



def _prep_body(ns_ref, nvt_ref, fr_ref, wsa_ref, wsb_ref, bsm_ref,
               wva_ref, wvb_ref, src_ref, dst_ref):
    ns = ns_ref[...]
    p = jnp.dot(ns, wsa_ref[...], preferred_element_type=jnp.float32)
    q = (jnp.dot(ns, wsb_ref[...], preferred_element_type=jnp.float32)
         + bsm_ref[...])
    a = [jnp.dot(nvt_ref[c], wva_ref[...], preferred_element_type=jnp.float32)
         for c in range(3)]
    b = [jnp.dot(nvt_ref[c], wvb_ref[...], preferred_element_type=jnp.float32)
         for c in range(3)]
    src_ref[...] = jnp.concatenate([p] + a, axis=1)
    dst_ref[...] = jnp.concatenate([q] + b + [fr_ref[...]], axis=1)


def _prep_call(ns, nvt, fr16, wsa, wsb, bsm, wva, wvb):
    return pl.pallas_call(
        _prep_body,
        grid=(_N // _BN,),
        in_specs=[
            pl.BlockSpec((_BN, _DS), lambda i: (i, 0)),
            pl.BlockSpec((3, _BN, _DV), lambda i: (0, i, 0)),
            pl.BlockSpec((_BN, 16), lambda i: (i, 0)),
            pl.BlockSpec((_DS, _DS), lambda i: (0, 0)),
            pl.BlockSpec((_DS, _DS), lambda i: (0, 0)),
            pl.BlockSpec((1, _DS), lambda i: (0, 0)),
            pl.BlockSpec((_DV, _DV), lambda i: (0, 0)),
            pl.BlockSpec((_DV, _DV), lambda i: (0, 0)),
        ],
        out_specs=[
            pl.BlockSpec((_BN, _SW), lambda i: (i, 0)),
            pl.BlockSpec((_BN, _DW), lambda i: (i, 0)),
        ],
        out_shape=[
            jax.ShapeDtypeStruct((_N, _SW), jnp.float32),
            jax.ShapeDtypeStruct((_N, _DW), jnp.float32),
        ],
    )(ns, nvt, fr16, wsa, wsb, bsm, wva, wvb)



def _make_gather():
    mesh = plsc.VectorSubcoreMesh(core_axis_name="c", subcore_axis_name="s",
                                  num_cores=_NC, num_subcores=_NS)

    @functools.partial(
        pl.kernel,
        out_type=(jax.ShapeDtypeStruct((_E, _SW), jnp.float32),
                  jax.ShapeDtypeStruct((_E, _DW), jnp.float32)),
        mesh=mesh,
        scratch_types=[
            pltpu.VMEM((_CG,), jnp.int32),
            pltpu.VMEM((_CG,), jnp.int32),
            pltpu.VMEM((_CG, _SW), jnp.float32),
            pltpu.VMEM((_CG, _DW), jnp.float32),
            pltpu.SemaphoreType.DMA,
            pltpu.SemaphoreType.DMA,
        ],
        compiler_params=pltpu.CompilerParams(use_tc_tiling_on_sc=False),
    )
    def gather_k(src_idx, dst_idx, stab, dtab, osrc, odst,
                 si_v, di_v, sb_v, db_v, sem_s, sem_d):
        wid = lax.axis_index("s") * _NC + lax.axis_index("c")
        base = wid * _EPW

        def body(j, carry):
            off = base + j * _CG
            pltpu.sync_copy(src_idx.at[pl.ds(off, _CG)], si_v)
            pltpu.sync_copy(dst_idx.at[pl.ds(off, _CG)], di_v)
            cs = pltpu.async_copy(stab.at[si_v], sb_v, sem_s)
            cd = pltpu.async_copy(dtab.at[di_v], db_v, sem_d)
            cs.wait()
            cd.wait()
            pltpu.sync_copy(sb_v, osrc.at[pl.ds(off, _CG)])
            pltpu.sync_copy(db_v, odst.at[pl.ds(off, _CG)])
            return carry

        lax.fori_loop(0, _EPW // _CG, body, 0)

    return gather_k



def _edge_body(gs_ref, gd_ref, wt_ref, watt_ref, wg_ref, bg_ref, wvo_ref,
               out_ref):
    gs = gs_ref[...]
    gd = gd_ref[...]
    vh = [gs[:, 128 + 16 * c:144 + 16 * c] + gd[:, 128 + 16 * c:144 + 16 * c]
          for c in range(3)]
    vnorm = jnp.sqrt(vh[0] * vh[0] + vh[1] * vh[1] + vh[2] * vh[2] + 1e-8)
    scal = []
    for k in range(3):
        acc = vh[0] * gd[:, 176 + 3 * k:177 + 3 * k]
        acc = acc + vh[1] * gd[:, 177 + 3 * k:178 + 3 * k]
        acc = acc + vh[2] * gd[:, 178 + 3 * k:179 + 3 * k]
        scal.append(acc)
    x = jnp.concatenate([vnorm] + scal, axis=1)
    s_lin = (gs[:, :128] + gd[:, :128]
             + jnp.dot(x, wt_ref[...], preferred_element_type=jnp.float32))
    ms0 = s_lin * jax.nn.sigmoid(s_lin)
    att = jax.nn.sigmoid(jnp.sum(ms0 * watt_ref[...], axis=1, keepdims=True))
    gate = jax.nn.sigmoid(
        jnp.dot(s_lin, wg_ref[...], preferred_element_type=jnp.float32)
        + bg_ref[...]) * att
    mv = [jnp.dot(v, wvo_ref[...], preferred_element_type=jnp.float32) * gate
          for v in vh]
    out_ref[...] = jnp.concatenate([ms0 * att] + mv, axis=1)


def _edge_call(gsrc, gdst, wtail, watt, wg, bg, wvo):
    return pl.pallas_call(
        _edge_body,
        grid=(_E // _BE,),
        in_specs=[
            pl.BlockSpec((_BE, _SW), lambda i: (i, 0)),
            pl.BlockSpec((_BE, _DW), lambda i: (i, 0)),
            pl.BlockSpec((64, _DS), lambda i: (0, 0)),
            pl.BlockSpec((1, _DS), lambda i: (0, 0)),
            pl.BlockSpec((_DS, _DV), lambda i: (0, 0)),
            pl.BlockSpec((1, _DV), lambda i: (0, 0)),
            pl.BlockSpec((_DV, _DV), lambda i: (0, 0)),
        ],
        out_specs=pl.BlockSpec((_BE, _MW), lambda i: (i, 0)),
        out_shape=jax.ShapeDtypeStruct((_E, _MW), jnp.float32),
    )(gsrc, gdst, wtail, watt, wg, bg, wvo)



def _make_scatter():
    mesh = plsc.VectorSubcoreMesh(core_axis_name="c", subcore_axis_name="s",
                                  num_cores=_NC, num_subcores=_NS)
    rpt = _N // _NS

    @functools.partial(
        pl.kernel,
        out_type=jax.ShapeDtypeStruct((_NC, _N, _MW), jnp.float32),
        mesh=mesh,
        scratch_types=[
            pltpu.VMEM((_CS,), jnp.int32),
            pltpu.VMEM((_CS, _MW), jnp.float32),
            pltpu.VMEM_SHARED((_N, _MW), jnp.float32),
        ],
        compiler_params=pltpu.CompilerParams(use_tc_tiling_on_sc=False),
    )
    def scatter_k(dst_idx, msg, zeros_hbm, out, di_v, mb_v, acc_sh):
        cid = lax.axis_index("c")
        sid = lax.axis_index("s")
        pltpu.sync_copy(zeros_hbm.at[pl.ds(sid * rpt, rpt)],
                        acc_sh.at[pl.ds(sid * rpt, rpt)])
        plsc.subcore_barrier()
        wid = sid * _NC + cid
        base = wid * _EPW

        def body(j, carry):
            off = base + j * _CS
            pltpu.sync_copy(dst_idx.at[pl.ds(off, _CS)], di_v)
            pltpu.sync_copy(msg.at[pl.ds(off, _CS)], mb_v)
            pltpu.sync_copy(mb_v, acc_sh.at[di_v], add=True)
            return carry

        lax.fori_loop(0, _EPW // _CS, body, 0)
        plsc.subcore_barrier()
        pltpu.sync_copy(acc_sh.at[pl.ds(sid * rpt, rpt)],
                        out.at[cid, pl.ds(sid * rpt, rpt)])

    return scatter_k



def _ff_body(part_ref, ns_ref, nvt_ref, fr_ref,
             w1sa_ref, w1sb_ref, wt1_ref, bs1_ref,
             wvh1a_ref, wvh1b_ref, wvo1_ref, wg1_ref, bg1_ref,
             w2s_ref, wt2_ref, bs2_ref, wvh2_ref, wvo2_ref, wg2_ref, bg2_ref,
             gamma_ref, beta_ref, so_ref, vo_ref):
    ns = ns_ref[...]
    fr = fr_ref[...]
    aggs = part_ref[0, :, :128] + part_ref[1, :, :128]
    s_pre = (jnp.dot(aggs, w1sa_ref[...], preferred_element_type=jnp.float32)
             + jnp.dot(ns, w1sb_ref[...], preferred_element_type=jnp.float32)
             + bs1_ref[...])
    vh1 = []
    for c in range(3):
        aggv_c = (part_ref[0, :, 128 + 16 * c:144 + 16 * c]
                  + part_ref[1, :, 128 + 16 * c:144 + 16 * c])
        vh1.append(
            jnp.dot(aggv_c, wvh1a_ref[...], preferred_element_type=jnp.float32)
            + jnp.dot(nvt_ref[c], wvh1b_ref[...],
                      preferred_element_type=jnp.float32))
    vnorm1 = jnp.sqrt(vh1[0] * vh1[0] + vh1[1] * vh1[1] + vh1[2] * vh1[2]
                      + 1e-8)
    scal1 = []
    for k in range(3):
        acc = vh1[0] * fr[:, 3 * k:3 * k + 1]
        acc = acc + vh1[1] * fr[:, 3 * k + 1:3 * k + 2]
        acc = acc + vh1[2] * fr[:, 3 * k + 2:3 * k + 3]
        scal1.append(acc)
    x1 = jnp.concatenate([vnorm1] + scal1, axis=1)
    s1 = s_pre + jnp.dot(x1, wt1_ref[...], preferred_element_type=jnp.float32)
    g1 = jax.nn.sigmoid(
        jnp.dot(s1, wg1_ref[...], preferred_element_type=jnp.float32)
        + bg1_ref[...])
    vo1 = [jnp.dot(v, wvo1_ref[...], preferred_element_type=jnp.float32) * g1
           for v in vh1]
    s1a = s1 * jax.nn.sigmoid(s1)
    vh2 = [jnp.dot(v, wvh2_ref[...], preferred_element_type=jnp.float32)
           for v in vo1]
    vnorm2 = jnp.sqrt(vh2[0] * vh2[0] + vh2[1] * vh2[1] + vh2[2] * vh2[2]
                      + 1e-8)
    scal2 = []
    for k in range(3):
        acc = vh2[0] * fr[:, 3 * k:3 * k + 1]
        acc = acc + vh2[1] * fr[:, 3 * k + 1:3 * k + 2]
        acc = acc + vh2[2] * fr[:, 3 * k + 2:3 * k + 3]
        scal2.append(acc)
    x2 = jnp.concatenate([vnorm2] + scal2, axis=1)
    s2 = (jnp.dot(s1a, w2s_ref[...], preferred_element_type=jnp.float32)
          + jnp.dot(x2, wt2_ref[...], preferred_element_type=jnp.float32)
          + bs2_ref[...])
    g2 = jax.nn.sigmoid(
        jnp.dot(s2, wg2_ref[...], preferred_element_type=jnp.float32)
        + bg2_ref[...])
    vo2 = [jnp.dot(v, wvo2_ref[...], preferred_element_type=jnp.float32) * g2
           for v in vh2]
    sres = ns + s2
    mu = jnp.mean(sres, axis=1, keepdims=True)
    d = sres - mu
    var = jnp.mean(d * d, axis=1, keepdims=True)
    so_ref[...] = gamma_ref[...] * d / jnp.sqrt(var + 1e-5) + beta_ref[...]
    vres = [nvt_ref[c] + vo2[c] for c in range(3)]
    vn = jnp.sqrt(
        jnp.sum(vres[0] * vres[0] + vres[1] * vres[1] + vres[2] * vres[2],
                axis=1, keepdims=True) / _DV + 1e-8)
    for c in range(3):
        vo_ref[c] = vres[c] / vn


def _ff_call(parts, ns, nvt, fr16, w1sa, w1sb, wt1, bs1, wvh1a, wvh1b, wvo1,
             wg1, bg1, w2s, wt2, bs2, wvh2, wvo2, wg2, bg2, gamma, beta):
    def full(shape):
        return pl.BlockSpec(shape, lambda i: tuple(0 for _ in shape))

    return pl.pallas_call(
        _ff_body,
        grid=(_N // _BF,),
        in_specs=[
            pl.BlockSpec((_NC, _BF, _MW), lambda i: (0, i, 0)),
            pl.BlockSpec((_BF, _DS), lambda i: (i, 0)),
            pl.BlockSpec((3, _BF, _DV), lambda i: (0, i, 0)),
            pl.BlockSpec((_BF, 16), lambda i: (i, 0)),
            full((_DS, 512)), full((_DS, 512)), full((128, 512)),
            full((1, 512)),
            full((_DV, 32)), full((_DV, 32)), full((32, 32)),
            full((512, 32)), full((1, 32)),
            full((512, _DS)), full((64, _DS)), full((1, _DS)),
            full((32, _DV)), full((_DV, _DV)), full((_DS, _DV)),
            full((1, _DV)),
            full((1, _DS)), full((1, _DS)),
        ],
        out_specs=[
            pl.BlockSpec((_BF, _DS), lambda i: (i, 0)),
            pl.BlockSpec((3, _BF, _DV), lambda i: (0, i, 0)),
        ],
        out_shape=[
            jax.ShapeDtypeStruct((_N, _DS), jnp.float32),
            jax.ShapeDtypeStruct((3, _N, _DV), jnp.float32),
        ],
    )(parts, ns, nvt, fr16, w1sa, w1sb, wt1, bs1, wvh1a, wvh1b, wvo1,
      wg1, bg1, w2s, wt2, bs2, wvh2, wvo2, wg2, bg2, gamma, beta)



def _perm_tail(w, h):
    return w.reshape(h, 3, w.shape[1]).transpose(1, 0, 2).reshape(
        3 * h, w.shape[1])


def kernel(node_s, node_v, edge_index, frames, W_vh_m, W_s_m, b_s_m, W_vo_m,
           W_g_m, b_g_m, W_att, W_vh_1, W_s_1, b_s_1, W_vo_1, W_g_1, b_g_1,
           W_vh_2, W_s_2, b_s_2, W_vo_2, W_g_2, b_g_2, gamma, beta):
    src = edge_index[0]
    dst = edge_index[1]
    nvt = jnp.transpose(node_v, (2, 0, 1))
    fr16 = jnp.concatenate(
        [frames.reshape(_N, 9), jnp.zeros((_N, 7), jnp.float32)], axis=1)

    wsa, wsb = W_s_m[:_DS], W_s_m[_DS:2 * _DS]
    wtail_m = jnp.concatenate(
        [W_s_m[2 * _DS:2 * _DS + _DV], _perm_tail(W_s_m[2 * _DS + _DV:], _DV)],
        axis=0)
    wva, wvb = W_vh_m[:_DV], W_vh_m[_DV:]

    stab, dtab = _prep_call(node_s, nvt, fr16, wsa, wsb,
                            b_s_m.reshape(1, _DS), wva, wvb)
    gsrc, gdst = _make_gather()(src, dst, stab, dtab)
    msg = _edge_call(gsrc, gdst, wtail_m, W_att.reshape(1, _DS), W_g_m,
                     b_g_m.reshape(1, _DV), W_vo_m)
    parts = _make_scatter()(dst, msg, jnp.zeros((_N, _MW), jnp.float32))

    w1sa, w1sb = W_s_1[:_DS], W_s_1[_DS:2 * _DS]
    wt1 = jnp.concatenate(
        [W_s_1[2 * _DS:2 * _DS + 32], _perm_tail(W_s_1[2 * _DS + 32:], 32)],
        axis=0)
    wvh1a, wvh1b = W_vh_1[:_DV], W_vh_1[_DV:]
    w2s = W_s_2[:512]
    wt2 = jnp.concatenate(
        [W_s_2[512:512 + _DV], _perm_tail(W_s_2[512 + _DV:], _DV)], axis=0)

    s_out, vout_t = _ff_call(
        parts, node_s, nvt, fr16, w1sa, w1sb, wt1, b_s_1.reshape(1, 512),
        wvh1a, wvh1b, W_vo_1, W_g_1, b_g_1.reshape(1, 32), w2s, wt2,
        b_s_2.reshape(1, _DS), W_vh_2, W_vo_2, W_g_2, b_g_2.reshape(1, _DV),
        gamma.reshape(1, _DS), beta.reshape(1, _DS))
    return s_out, jnp.transpose(vout_t, (1, 2, 0))

# --- scband reference (transcript-rebuilt; emitter-appended) ---
"""Pipeline reference for scband-tppinteraction-70944269796235 (READ-ONLY COPY).

The authoritative reference and input builder live on the scoring server;
editing this copy changes nothing except your own understanding.
"""

import jax, jax.numpy as jnp
import numpy as np

N = 10000
E = 320000
DS = 128
DV = 16

def _k(i):
    return jax.random.fold_in(jax.random.key(0), i)

def _w(i, shape):
    return jax.random.normal(_k(i), shape, dtype=jnp.float32) / np.sqrt(shape[0])

def _tpp(s, v, frames, W_vh, W_s, b_s, W_vo, W_g, b_g, act):
    # Geometry-complete perceptron: vector hidden proj, invariant scalarization via frames,
    # scalar MLP, vector output proj with scalar-conditioned gating.
    v_h = jnp.einsum('nvc,vh->nhc', v, W_vh)
    v_norm = jnp.sqrt(jnp.sum(v_h ** 2, axis=-1) + 1e-8)
    scal = jnp.einsum('nhc,nkc->nhk', v_h, frames).reshape(s.shape[0], -1)
    s_in = jnp.concatenate([s, v_norm, scal], axis=-1)
    s_out = s_in @ W_s + b_s
    v_out = jnp.einsum('nhc,ho->noc', v_h, W_vo)
    gate = jax.nn.sigmoid(s_out @ W_g + b_g)
    v_out = v_out * gate[..., None]
    if act:
        s_out = jax.nn.silu(s_out)
    return s_out, v_out

def setup_inputs():
    HS = 4 * DS
    HV = 2 * DV
    inp = {}
    inp['node_s'] = jax.random.normal(_k(1), (N, DS), dtype=jnp.float32)
    inp['node_v'] = jax.random.normal(_k(2), (N, DV, 3), dtype=jnp.float32)
    inp['edge_index'] = jax.random.randint(_k(3), (2, E), 0, N)
    inp['frames'] = jax.random.normal(_k(4), (N, 3, 3), dtype=jnp.float32)
    # message TPP params (input: concat src/dst -> (2*DS, 2*DV), output: (DS, DV))
    inp['W_vh_m'] = _w(10, (2 * DV, DV))
    inp['W_s_m'] = _w(11, (2 * DS + 4 * DV, DS))
    inp['b_s_m'] = jnp.zeros((DS,), jnp.float32)
    inp['W_vo_m'] = _w(12, (DV, DV))
    inp['W_g_m'] = _w(13, (DS, DV))
    inp['b_g_m'] = jnp.zeros((DV,), jnp.float32)
    inp['W_att'] = _w(14, (DS, 1))
    # feedforward TPP 1: (2*DS, 2*DV) -> (4*DS, 2*DV)
    inp['W_vh_1'] = _w(20, (2 * DV, HV))
    inp['W_s_1'] = _w(21, (2 * DS + 4 * HV, HS))
    inp['b_s_1'] = jnp.zeros((HS,), jnp.float32)
    inp['W_vo_1'] = _w(22, (HV, HV))
    inp['W_g_1'] = _w(23, (HS, HV))
    inp['b_g_1'] = jnp.zeros((HV,), jnp.float32)
    # feedforward TPP 2: (4*DS, 2*DV) -> (DS, DV), activation='none'
    inp['W_vh_2'] = _w(30, (HV, DV))
    inp['W_s_2'] = _w(31, (HS + 4 * DV, DS))
    inp['b_s_2'] = jnp.zeros((DS,), jnp.float32)
    inp['W_vo_2'] = _w(32, (DV, DV))
    inp['W_g_2'] = _w(33, (DS, DV))
    inp['b_g_2'] = jnp.zeros((DV,), jnp.float32)
    # TPPNorm params
    inp['gamma'] = jnp.ones((DS,), jnp.float32)
    inp['beta'] = jnp.zeros((DS,), jnp.float32)
    return inp

def reference(node_s, node_v, edge_index, frames, W_vh_m, W_s_m, b_s_m, W_vo_m, W_g_m, b_g_m, W_att, W_vh_1, W_s_1, b_s_1, W_vo_1, W_g_1, b_g_1, W_vh_2, W_s_2, b_s_2, W_vo_2, W_g_2, b_g_2, gamma, beta):
    src = edge_index[0]
    dst = edge_index[1]
    # TPPMessagePassing: per-edge message from concat(src, dst) features, scalar message attention, sum-reduce
    s_cat = jnp.concatenate([node_s[src], node_s[dst]], axis=-1)
    v_cat = jnp.concatenate([node_v[src], node_v[dst]], axis=1)
    f_e = frames[dst]
    ms, mv = _tpp(s_cat, v_cat, f_e, W_vh_m, W_s_m, b_s_m, W_vo_m, W_g_m, b_g_m, True)
    att = jax.nn.sigmoid(ms @ W_att)
    ms = ms * att
    mv = mv * att[..., None]
    agg_s = jax.ops.segment_sum(ms, dst, num_segments=N)
    agg_v = jax.ops.segment_sum(mv, dst, num_segments=N)
    # hidden_residual = concat(message output, X_dict[0])
    hs = jnp.concatenate([agg_s, node_s], axis=-1)
    hv = jnp.concatenate([agg_v, node_v], axis=1)
    # feedforward network
    hs, hv = _tpp(hs, hv, frames, W_vh_1, W_s_1, b_s_1, W_vo_1, W_g_1, b_g_1, True)
    rs, rv = _tpp(hs, hv, frames, W_vh_2, W_s_2, b_s_2, W_vo_2, W_g_2, b_g_2, False)
    # residual + TPPNorm (scalar layernorm, vector RMS norm)
    s2 = node_s + rs
    v2 = node_v + rv
    mu = jnp.mean(s2, axis=-1, keepdims=True)
    var = jnp.var(s2, axis=-1, keepdims=True)
    s_out = gamma * (s2 - mu) / jnp.sqrt(var + 1e-5) + beta
    vn = jnp.sqrt(jnp.mean(jnp.sum(v2 ** 2, axis=-1), axis=-1, keepdims=True) + 1e-8)
    v_out = v2 / vn[..., None]
    return s_out, v_out

if __name__ == "__main__":
    import jax
    _d = setup_inputs()
    print(jax.jit(kernel)(*tuple(_d.values())))

</pallas_src>

<mosaic_0001>
#map = affine_map<(d0, d1) -> (0)>
#map1 = affine_map<(d0, d1) -> (0, 0)>
#map2 = affine_map<(d0, d1) -> (0, 0, 0)>
module attributes {stable_mosaic.version = 14 : i64} {
  func.func @scatter_k(%arg0: i32, %arg1: i32, %arg2: memref<320000xi32, #tpu.memory_space<hbm>>, %arg3: memref<320000x176xf32, #tpu.memory_space<hbm>>, %arg4: memref<10000x176xf32, #tpu.memory_space<hbm>>, %arg5: memref<2x10000x176xf32, #tpu.memory_space<hbm>>, %arg6: memref<80xi32, #tpu.memory_space<vmem>>, %arg7: memref<80x176xf32, #tpu.memory_space<vmem>>, %arg8: memref<10000x176xf32, #tpu.memory_space<vmem_shared>>) attributes {dimension_semantics = [#tpu.dimension_semantics<core_parallel>, #tpu.dimension_semantics<subcore_parallel>], iteration_bounds = array<i64: 2, 16>, scalar_prefetch = 0 : i64, scratch_operands = 3 : i64, tpu.core_type = #tpu.core_type<sc_vector_subcore>, window_params = [{transform_indices = #map}, {transform_indices = #map1}, {transform_indices = #map1}, {transform_indices = #map2}]} {
    %mul3A = arith.constant 625 : i32
    %mul3A_0 = arith.muli %arg1, %mul3A : i32
    %mul3A_1 = arith.constant 625 : i32
    %mul3A_2 = arith.muli %arg1, %mul3A_1 : i32
    "tpu.region"() ({
      %run_scoped3A = tpu.sem_alloc : memref<!tpu.dma_semaphore, #tpu.memory_space<semaphore_mem>>
      %dma_start3A = arith.constant 0 : i32
      %dma_start3A_17 = tpu.memref_slice %arg8[%mul3A_2, %dma_start3A] : memref<10000x176xf32, #tpu.memory_space<vmem_shared>> -> memref<625x176xf32, #tpu.memory_space<vmem_shared>>
      %dma_start3A_18 = arith.constant 0 : i32
      %dma_start3A_19 = tpu.memref_slice %arg4[%mul3A_0, %dma_start3A_18] : memref<10000x176xf32, #tpu.memory_space<hbm>> -> memref<625x176xf32, #tpu.memory_space<hbm>>
      tpu.enqueue_dma source(%dma_start3A_19 : memref<625x176xf32, #tpu.memory_space<hbm>>) target(%dma_start3A_17 : memref<625x176xf32, #tpu.memory_space<vmem_shared>>) target_semaphore(%run_scoped3A : memref<!tpu.dma_semaphore, #tpu.memory_space<semaphore_mem>>)
      %dma_wait3A = arith.constant 0 : i32
      %dma_wait3A_20 = tpu.memref_slice %arg8[%mul3A_2, %dma_wait3A] : memref<10000x176xf32, #tpu.memory_space<vmem_shared>> -> memref<625x176xf32, #tpu.memory_space<vmem_shared>>
      %dma_wait3A_21 = arith.constant 0 : i32
      %dma_wait3A_22 = tpu.memref_slice %arg4[%mul3A_0, %dma_wait3A_21] : memref<10000x176xf32, #tpu.memory_space<hbm>> -> memref<625x176xf32, #tpu.memory_space<hbm>>
      tpu.wait_dma2 semaphore(%run_scoped3A : memref<!tpu.dma_semaphore, #tpu.memory_space<semaphore_mem>>) src(%dma_wait3A_22 : memref<625x176xf32, #tpu.memory_space<hbm>>) dst(%dma_wait3A_20 : memref<625x176xf32, #tpu.memory_space<vmem_shared>>)
      tpu.yield
    }) : () -> ()
    %barrier3A = arith.constant 0 : index
    tpu.barrier barrier_id(%barrier3A)
    %mul3A_3 = arith.constant 2 : i32
    %mul3A_4 = arith.muli %arg1, %mul3A_3 : i32
    %add3A = arith.addi %mul3A_4, %arg0 : i32
    %mul3A_5 = arith.constant 10000 : i32
    %mul3A_6 = arith.muli %add3A, %mul3A_5 : i32
    %scan3A = arith.constant 0 : i32
    %scan3A_7 = arith.constant 0 : i32
    %scan3A_8 = arith.constant 125 : i32
    %scan3A_9 = arith.addi %scan3A_7, %scan3A_8 : i32
    %scan3A_10 = arith.constant 1 : i32
    scf.for %scan3A_17 = %scan3A_7 to %scan3A_9 step %scan3A_10  : i32 {
      %mul3A_18 = arith.constant 80 : i32
      %mul3A_19 = arith.muli %scan3A_17, %mul3A_18 : i32
      %add3A_20 = arith.addi %mul3A_6, %mul3A_19 : i32
      "tpu.region"() ({
        %run_scoped3A = tpu.sem_alloc : memref<!tpu.dma_semaphore, #tpu.memory_space<semaphore_mem>>
        %dma_start3A = tpu.memref_slice %arg2[%add3A_20] : memref<320000xi32, #tpu.memory_space<hbm>> -> memref<80xi32, #tpu.memory_space<hbm>>
        %dma_start3A_21 = tpu.memref_slice %arg2[%add3A_20] : memref<320000xi32, #tpu.memory_space<hbm>> -> memref<80xi32, #tpu.memory_space<hbm>>
        tpu.enqueue_dma source(%dma_start3A_21 : memref<80xi32, #tpu.memory_space<hbm>>) target(%arg6 : memref<80xi32, #tpu.memory_space<vmem>>) target_semaphore(%run_scoped3A : memref<!tpu.dma_semaphore, #tpu.memory_space<semaphore_mem>>)
        %dma_wait3A = tpu.memref_slice %arg2[%add3A_20] : memref<320000xi32, #tpu.memory_space<hbm>> -> memref<80xi32, #tpu.memory_space<hbm>>
        %dma_wait3A_22 = tpu.memref_slice %arg2[%add3A_20] : memref<320000xi32, #tpu.memory_space<hbm>> -> memref<80xi32, #tpu.memory_space<hbm>>
        tpu.wait_dma2 semaphore(%run_scoped3A : memref<!tpu.dma_semaphore, #tpu.memory_space<semaphore_mem>>) src(%dma_wait3A_22 : memref<80xi32, #tpu.memory_space<hbm>>) dst(%arg6 : memref<80xi32, #tpu.memory_space<vmem>>)
        tpu.yield
      }) : () -> ()
      "tpu.region"() ({
        %run_scoped3A = tpu.sem_alloc : memref<!tpu.dma_semaphore, #tpu.memory_space<semaphore_mem>>
        %dma_start3A = arith.constant 0 : i32
        %dma_start3A_21 = tpu.memref_slice %arg3[%add3A_20, %dma_start3A] : memref<320000x176xf32, #tpu.memory_space<hbm>> -> memref<80x176xf32, #tpu.memory_space<hbm>>
        %dma_start3A_22 = arith.constant 0 : i32
        %dma_start3A_23 = tpu.memref_slice %arg3[%add3A_20, %dma_start3A_22] : memref<320000x176xf32, #tpu.memory_space<hbm>> -> memref<80x176xf32, #tpu.memory_space<hbm>>
        tpu.enqueue_dma source(%dma_start3A_23 : memref<80x176xf32, #tpu.memory_space<hbm>>) target(%arg7 : memref<80x176xf32, #tpu.memory_space<vmem>>) target_semaphore(%run_scoped3A : memref<!tpu.dma_semaphore, #tpu.memory_space<semaphore_mem>>)
        %dma_wait3A = arith.constant 0 : i32
        %dma_wait3A_24 = tpu.memref_slice %arg3[%add3A_20, %dma_wait3A] : memref<320000x176xf32, #tpu.memory_space<hbm>> -> memref<80x176xf32, #tpu.memory_space<hbm>>
        %dma_wait3A_25 = arith.constant 0 : i32
        %dma_wait3A_26 = tpu.memref_slice %arg3[%add3A_20, %dma_wait3A_25] : memref<320000x176xf32, #tpu.memory_space<hbm>> -> memref<80x176xf32, #tpu.memory_space<hbm>>
        tpu.wait_dma2 semaphore(%run_scoped3A : memref<!tpu.dma_semaphore, #tpu.memory_space<semaphore_mem>>) src(%dma_wait3A_26 : memref<80x176xf32, #tpu.memory_space<hbm>>) dst(%arg7 : memref<80x176xf32, #tpu.memory_space<vmem>>)
        tpu.yield
      }) : () -> ()
      "tpu.region"() ({
        %run_scoped3A = tpu.sem_alloc : memref<!tpu.dma_semaphore, #tpu.memory_space<semaphore_mem>>
        %dma_start3A = arith.constant 0 : i32
        %dma_start3A_21 = arith.constant 0 : i32
        %dma_start3A_22 = tpu.memref_slice %arg8[%dma_start3A, %dma_start3A_21] : memref<10000x176xf32, #tpu.memory_space<vmem_shared>> -> memref<10000x176xf32, #tpu.memory_space<vmem_shared>>
        tpu.enqueue_indirect_dma source(%arg7 : memref<80x176xf32, #tpu.memory_space<vmem>>) target(%dma_start3A_22 : memref<10000x176xf32, #tpu.memory_space<vmem_shared>>) offsets(%arg6 : memref<80xi32, #tpu.memory_space<vmem>>) semaphore(%run_scoped3A : memref<!tpu.dma_semaphore, #tpu.memory_space<semaphore_mem>>) {add = true}
        %dma_wait3A = arith.constant 0 : i32
        %dma_wait3A_23 = arith.constant 0 : i32
        %dma_wait3A_24 = tpu.memref_slice %arg8[%dma_wait3A, %dma_wait3A_23] : memref<10000x176xf32, #tpu.memory_space<vmem_shared>> -> memref<10000x176xf32, #tpu.memory_space<vmem_shared>>
        tpu.wait_indirect_dma semaphore(%run_scoped3A : memref<!tpu.dma_semaphore, #tpu.memory_space<semaphore_mem>>) src(%arg7 : memref<80x176xf32, #tpu.memory_space<vmem>>) dst(%dma_wait3A_24 : memref<10000x176xf32, #tpu.memory_space<vmem_shared>>)
        tpu.yield
      }) : () -> ()
    }
    %scan3A_11 = arith.constant 125 : i32
    %barrier3A_12 = arith.constant 0 : index
    tpu.barrier barrier_id(%barrier3A_12)
    %mul3A_13 = arith.constant 625 : i32
    %mul3A_14 = arith.muli %arg1, %mul3A_13 : i32
    %mul3A_15 = arith.constant 625 : i32
    %mul3A_16 = arith.muli %arg1, %mul3A_15 : i32
    "tpu.region"() ({
      %run_scoped3A = tpu.sem_alloc : memref<!tpu.dma_semaphore, #tpu.memory_space<semaphore_mem>>
      %dma_start3A = arith.constant 0 : i32
      %dma_start3A_17 = tpu.memref_slice %arg5[%arg0, %mul3A_16, %dma_start3A] : memref<2x10000x176xf32, #tpu.memory_space<hbm>> -> memref<1x625x176xf32, #tpu.memory_space<hbm>>
      %dma_start3A_18 = tpu.memref_squeeze %dma_start3A_17 : memref<1x625x176xf32, #tpu.memory_space<hbm>> -> memref<625x176xf32, #tpu.memory_space<hbm>>
      %dma_start3A_19 = arith.constant 0 : i32
      %dma_start3A_20 = tpu.memref_slice %arg8[%mul3A_14, %dma_start3A_19] : memref<10000x176xf32, #tpu.memory_space<vmem_shared>> -> memref<625x176xf32, #tpu.memory_space<vmem_shared>>
      tpu.enqueue_dma source(%dma_start3A_20 : memref<625x176xf32, #tpu.memory_space<vmem_shared>>) target(%dma_start3A_18 : memref<625x176xf32, #tpu.memory_space<hbm>>) target_semaphore(%run_scoped3A : memref<!tpu.dma_semaphore, #tpu.memory_space<semaphore_mem>>)
      %dma_wait3A = arith.constant 0 : i32
      %dma_wait3A_21 = tpu.memref_slice %arg5[%arg0, %mul3A_16, %dma_wait3A] : memref<2x10000x176xf32, #tpu.memory_space<hbm>> -> memref<1x625x176xf32, #tpu.memory_space<hbm>>
      %dma_wait3A_22 = tpu.memref_squeeze %dma_wait3A_21 : memref<1x625x176xf32, #tpu.memory_space<hbm>> -> memref<625x176xf32, #tpu.memory_space<hbm>>
      %dma_wait3A_23 = arith.constant 0 : i32
      %dma_wait3A_24 = tpu.memref_slice %arg8[%mul3A_14, %dma_wait3A_23] : memref<10000x176xf32, #tpu.memory_space<vmem_shared>> -> memref<625x176xf32, #tpu.memory_space<vmem_shared>>
      tpu.wait_dma2 semaphore(%run_scoped3A : memref<!tpu.dma_semaphore, #tpu.memory_space<semaphore_mem>>) src(%dma_wait3A_24 : memref<625x176xf32, #tpu.memory_space<vmem_shared>>) dst(%dma_wait3A_22 : memref<625x176xf32, #tpu.memory_space<hbm>>)
      tpu.yield
    }) : () -> ()
    return
  }
}

#map = affine_map<(d0, d1) -> (0)>
#map1 = affine_map<(d0, d1) -> (0, 0)>
module attributes {stable_mosaic.version = 14 : i64} {
  func.func @gather_k(%arg0: i32, %arg1: i32, %arg2: memref<320000xi32, #tpu.memory_space<hbm>>, %arg3: memref<320000xi32, #tpu.memory_space<hbm>>, %arg4: memref<10000x176xf32, #tpu.memory_space<hbm>>, %arg5: memref<10000x192xf32, #tpu.memory_space<hbm>>, %arg6: memref<320000x176xf32, #tpu.memory_space<hbm>>, %arg7: memref<320000x192xf32, #tpu.memory_space<hbm>>, %arg8: memref<200xi32, #tpu.memory_space<vmem>>, %arg9: memref<200xi32, #tpu.memory_space<vmem>>, %arg10: memref<200x176xf32, #tpu.memory_space<vmem>>, %arg11: memref<200x192xf32, #tpu.memory_space<vmem>>, %arg12: memref<!tpu.dma_semaphore, #tpu.memory_space<semaphore_mem>>, %arg13: memref<!tpu.dma_semaphore, #tpu.memory_space<semaphore_mem>>) attributes {dimension_semantics = [#tpu.dimension_semantics<core_parallel>, #tpu.dimension_semantics<subcore_parallel>], iteration_bounds = array<i64: 2, 16>, scalar_prefetch = 0 : i64, scratch_operands = 6 : i64, tpu.core_type = #tpu.core_type<sc_vector_subcore>, window_params = [{transform_indices = #map}, {transform_indices = #map}, {transform_indices = #map1}, {transform_indices = #map1}, {transform_indices = #map1}, {transform_indices = #map1}]} {
    %mul3A = arith.constant 2 : i32
    %mul3A_0 = arith.muli %arg1, %mul3A : i32
    %add3A = arith.addi %mul3A_0, %arg0 : i32
    %mul3A_1 = arith.constant 10000 : i32
    %mul3A_2 = arith.muli %add3A, %mul3A_1 : i32
    %scan3A = arith.constant 0 : i32
    %scan3A_3 = arith.constant 0 : i32
    %scan3A_4 = arith.constant 50 : i32
    %scan3A_5 = arith.addi %scan3A_3, %scan3A_4 : i32
    %scan3A_6 = arith.constant 1 : i32
    scf.for %scan3A_8 = %scan3A_3 to %scan3A_5 step %scan3A_6  : i32 {
      %mul3A_9 = arith.constant 200 : i32
      %mul3A_10 = arith.muli %scan3A_8, %mul3A_9 : i32
      %add3A_11 = arith.addi %mul3A_2, %mul3A_10 : i32
      "tpu.region"() ({
        %run_scoped3A = tpu.sem_alloc : memref<!tpu.dma_semaphore, #tpu.memory_space<semaphore_mem>>
        %dma_start3A_22 = tpu.memref_slice %arg2[%add3A_11] : memref<320000xi32, #tpu.memory_space<hbm>> -> memref<200xi32, #tpu.memory_space<hbm>>
        %dma_start3A_23 = tpu.memref_slice %arg2[%add3A_11] : memref<320000xi32, #tpu.memory_space<hbm>> -> memref<200xi32, #tpu.memory_space<hbm>>
        tpu.enqueue_dma source(%dma_start3A_23 : memref<200xi32, #tpu.memory_space<hbm>>) target(%arg8 : memref<200xi32, #tpu.memory_space<vmem>>) target_semaphore(%run_scoped3A : memref<!tpu.dma_semaphore, #tpu.memory_space<semaphore_mem>>)
        %dma_wait3A_24 = tpu.memref_slice %arg2[%add3A_11] : memref<320000xi32, #tpu.memory_space<hbm>> -> memref<200xi32, #tpu.memory_space<hbm>>
        %dma_wait3A_25 = tpu.memref_slice %arg2[%add3A_11] : memref<320000xi32, #tpu.memory_space<hbm>> -> memref<200xi32, #tpu.memory_space<hbm>>
        tpu.wait_dma2 semaphore(%run_scoped3A : memref<!tpu.dma_semaphore, #tpu.memory_space<semaphore_mem>>) src(%dma_wait3A_25 : memref<200xi32, #tpu.memory_space<hbm>>) dst(%arg8 : memref<200xi32, #tpu.memory_space<vmem>>)
        tpu.yield
      }) : () -> ()
      "tpu.region"() ({
        %run_scoped3A = tpu.sem_alloc : memref<!tpu.dma_semaphore, #tpu.memory_space<semaphore_mem>>
        %dma_start3A_22 = tpu.memref_slice %arg3[%add3A_11] : memref<320000xi32, #tpu.memory_space<hbm>> -> memref<200xi32, #tpu.memory_space<hbm>>
        %dma_start3A_23 = tpu.memref_slice %arg3[%add3A_11] : memref<320000xi32, #tpu.memory_space<hbm>> -> memref<200xi32, #tpu.memory_space<hbm>>
        tpu.enqueue_dma source(%dma_start3A_23 : memref<200xi32, #tpu.memory_space<hbm>>) target(%arg9 : memref<200xi32, #tpu.memory_space<vmem>>) target_semaphore(%run_scoped3A : memref<!tpu.dma_semaphore, #tpu.memory_space<semaphore_mem>>)
        %dma_wait3A_24 = tpu.memref_slice %arg3[%add3A_11] : memref<320000xi32, #tpu.memory_space<hbm>> -> memref<200xi32, #tpu.memory_space<hbm>>
        %dma_wait3A_25 = tpu.memref_slice %arg3[%add3A_11] : memref<320000xi32, #tpu.memory_space<hbm>> -> memref<200xi32, #tpu.memory_space<hbm>>
        tpu.wait_dma2 semaphore(%run_scoped3A : memref<!tpu.dma_semaphore, #tpu.memory_space<semaphore_mem>>) src(%dma_wait3A_25 : memref<200xi32, #tpu.memory_space<hbm>>) dst(%arg9 : memref<200xi32, #tpu.memory_space<vmem>>)
        tpu.yield
      }) : () -> ()
      %dma_start3A = arith.constant 0 : i32
      %dma_start3A_12 = arith.constant 0 : i32
      %dma_start3A_13 = tpu.memref_slice %arg4[%dma_start3A, %dma_start3A_12] : memref<10000x176xf32, #tpu.memory_space<hbm>> -> memref<10000x176xf32, #tpu.memory_space<hbm>>
      tpu.enqueue_indirect_dma source(%dma_start3A_13 : memref<10000x176xf32, #tpu.memory_space<hbm>>) target(%arg10 : memref<200x176xf32, #tpu.memory_space<vmem>>) offsets(%arg8 : memref<200xi32, #tpu.memory_space<vmem>>) semaphore(%arg12 : memref<!tpu.dma_semaphore, #tpu.memory_space<semaphore_mem>>)
      %dma_start3A_14 = arith.constant 0 : i32
      %dma_start3A_15 = arith.constant 0 : i32
      %dma_start3A_16 = tpu.memref_slice %arg5[%dma_start3A_14, %dma_start3A_15] : memref<10000x192xf32, #tpu.memory_space<hbm>> -> memref<10000x192xf32, #tpu.memory_space<hbm>>
      tpu.enqueue_indirect_dma source(%dma_start3A_16 : memref<10000x192xf32, #tpu.memory_space<hbm>>) target(%arg11 : memref<200x192xf32, #tpu.memory_space<vmem>>) offsets(%arg9 : memref<200xi32, #tpu.memory_space<vmem>>) semaphore(%arg13 : memref<!tpu.dma_semaphore, #tpu.memory_space<semaphore_mem>>)
      %dma_wait3A = arith.constant 0 : i32
      %dma_wait3A_17 = arith.constant 0 : i32
      %dma_wait3A_18 = tpu.memref_slice %arg4[%dma_wait3A, %dma_wait3A_17] : memref<10000x176xf32, #tpu.memory_space<hbm>> -> memref<10000x176xf32, #tpu.memory_space<hbm>>
      tpu.wait_indirect_dma semaphore(%arg12 : memref<!tpu.dma_semaphore, #tpu.memory_space<semaphore_mem>>) src(%dma_wait3A_18 : memref<10000x176xf32, #tpu.memory_space<hbm>>) dst(%arg10 : memref<200x176xf32, #tpu.memory_space<vmem>>)
      %dma_wait3A_19 = arith.constant 0 : i32
      %dma_wait3A_20 = arith.constant 0 : i32
      %dma_wait3A_21 = tpu.memref_slice %arg5[%dma_wait3A_19, %dma_wait3A_20] : memref<10000x192xf32, #tpu.memory_space<hbm>> -> memref<10000x192xf32, #tpu.memory_space<hbm>>
      tpu.wait_indirect_dma semaphore(%arg13 : memref<!tpu.dma_semaphore, #tpu.memory_space<semaphore_mem>>) src(%dma_wait3A_21 : memref<10000x192xf32, #tpu.memory_space<hbm>>) dst(%arg11 : memref<200x192xf32, #tpu.memory_space<vmem>>)
      "tpu.region"() ({
        %run_scoped3A = tpu.sem_alloc : memref<!tpu.dma_semaphore, #tpu.memory_space<semaphore_mem>>
        %dma_start3A_22 = arith.constant 0 : i32
        %dma_start3A_23 = tpu.memref_slice %arg6[%add3A_11, %dma_start3A_22] : memref<320000x176xf32, #tpu.memory_space<hbm>> -> memref<200x176xf32, #tpu.memory_space<hbm>>
        %dma_start3A_24 = arith.constant 0 : i32
        %dma_start3A_25 = tpu.memref_slice %arg6[%add3A_11, %dma_start3A_24] : memref<320000x176xf32, #tpu.memory_space<hbm>> -> memref<200x176xf32, #tpu.memory_space<hbm>>
        tpu.enqueue_dma source(%arg10 : memref<200x176xf32, #tpu.memory_space<vmem>>) target(%dma_start3A_25 : memref<200x176xf32, #tpu.memory_space<hbm>>) target_semaphore(%run_scoped3A : memref<!tpu.dma_semaphore, #tpu.memory_space<semaphore_mem>>)
        %dma_wait3A_26 = arith.constant 0 : i32
        %dma_wait3A_27 = tpu.memref_slice %arg6[%add3A_11, %dma_wait3A_26] : memref<320000x176xf32, #tpu.memory_space<hbm>> -> memref<200x176xf32, #tpu.memory_space<hbm>>
        %dma_wait3A_28 = arith.constant 0 : i32
        %dma_wait3A_29 = tpu.memref_slice %arg6[%add3A_11, %dma_wait3A_28] : memref<320000x176xf32, #tpu.memory_space<hbm>> -> memref<200x176xf32, #tpu.memory_space<hbm>>
        tpu.wait_dma2 semaphore(%run_scoped3A : memref<!tpu.dma_semaphore, #tpu.memory_space<semaphore_mem>>) src(%arg10 : memref<200x176xf32, #tpu.memory_space<vmem>>) dst(%dma_wait3A_29 : memref<200x176xf32, #tpu.memory_space<hbm>>)
        tpu.yield
      }) : () -> ()
      "tpu.region"() ({
        %run_scoped3A = tpu.sem_alloc : memref<!tpu.dma_semaphore, #tpu.memory_space<semaphore_mem>>
        %dma_start3A_22 = arith.constant 0 : i32
        %dma_start3A_23 = tpu.memref_slice %arg7[%add3A_11, %dma_start3A_22] : memref<320000x192xf32, #tpu.memory_space<hbm>> -> memref<200x192xf32, #tpu.memory_space<hbm>>
        %dma_start3A_24 = arith.constant 0 : i32
        %dma_start3A_25 = tpu.memref_slice %arg7[%add3A_11, %dma_start3A_24] : memref<320000x192xf32, #tpu.memory_space<hbm>> -> memref<200x192xf32, #tpu.memory_space<hbm>>
        tpu.enqueue_dma source(%arg11 : memref<200x192xf32, #tpu.memory_space<vmem>>) target(%dma_start3A_25 : memref<200x192xf32, #tpu.memory_space<hbm>>) target_semaphore(%run_scoped3A : memref<!tpu.dma_semaphore, #tpu.memory_space<semaphore_mem>>)
        %dma_wait3A_26 = arith.constant 0 : i32
        %dma_wait3A_27 = tpu.memref_slice %arg7[%add3A_11, %dma_wait3A_26] : memref<320000x192xf32, #tpu.memory_space<hbm>> -> memref<200x192xf32, #tpu.memory_space<hbm>>
        %dma_wait3A_28 = arith.constant 0 : i32
        %dma_wait3A_29 = tpu.memref_slice %arg7[%add3A_11, %dma_wait3A_28] : memref<320000x192xf32, #tpu.memory_space<hbm>> -> memref<200x192xf32, #tpu.memory_space<hbm>>
        tpu.wait_dma2 semaphore(%run_scoped3A : memref<!tpu.dma_semaphore, #tpu.memory_space<semaphore_mem>>) src(%arg11 : memref<200x192xf32, #tpu.memory_space<vmem>>) dst(%dma_wait3A_29 : memref<200x192xf32, #tpu.memory_space<hbm>>)
        tpu.yield
      }) : () -> ()
    }
    %scan3A_7 = arith.constant 50 : i32
    return
  }
}

module attributes {stable_mosaic.version = 14 : i64} {
  func.func @_prep_body(%arg0: i32, %arg1: memref<2000x128xf32, #tpu.memory_space<vmem>>, %arg2: memref<3x2000x16xf32, #tpu.memory_space<vmem>>, %arg3: memref<2000x16xf32, #tpu.memory_space<vmem>>, %arg4: memref<128x128xf32, #tpu.memory_space<vmem>>, %arg5: memref<128x128xf32, #tpu.memory_space<vmem>>, %arg6: memref<1x128xf32, #tpu.memory_space<vmem>>, %arg7: memref<16x16xf32, #tpu.memory_space<vmem>>, %arg8: memref<16x16xf32, #tpu.memory_space<vmem>>, %arg9: memref<2000x176xf32, #tpu.memory_space<vmem>>, %arg10: memref<2000x192xf32, #tpu.memory_space<vmem>>) attributes {dimension_semantics = [#tpu.dimension_semantics<arbitrary>], iteration_bounds = array<i64: 5>, scalar_prefetch = 0 : i64, scratch_operands = 0 : i64, tpu.core_type = #tpu.core_type<tc>, window_params = [{transform_indices = @transform_0, window_bounds = array<i64: 2000, 128>}, {transform_indices = @transform_1, window_bounds = array<i64: 3, 2000, 16>}, {transform_indices = @transform_2, window_bounds = array<i64: 2000, 16>}, {pipeline_mode = #tpu.pipeline_mode<synchronous>, transform_indices = @transform_3, window_bounds = array<i64: 128, 128>}, {pipeline_mode = #tpu.pipeline_mode<synchronous>, transform_indices = @transform_4, window_bounds = array<i64: 128, 128>}, {pipeline_mode = #tpu.pipeline_mode<synchronous>, transform_indices = @transform_5, window_bounds = array<i64: 1, 128>}, {pipeline_mode = #tpu.pipeline_mode<synchronous>, transform_indices = @transform_6, window_bounds = array<i64: 16, 16>}, {pipeline_mode = #tpu.pipeline_mode<synchronous>, transform_indices = @transform_7, window_bounds = array<i64: 16, 16>}, {transform_indices = @transform_8, window_bounds = array<i64: 2000, 176>}, {transform_indices = @transform_9, window_bounds = array<i64: 2000, 192>}]} {
    %get3A = arith.constant 0 : index
    %get3A_0 = arith.constant 0 : index
    %get3A_1 = vector.load %arg1[%get3A, %get3A_0] : memref<2000x128xf32, #tpu.memory_space<vmem>>, vector<2000x128xf32>
    %get3A_2 = arith.constant 0 : index
    %get3A_3 = arith.constant 0 : index
    %get3A_4 = vector.load %arg4[%get3A_2, %get3A_3] : memref<128x128xf32, #tpu.memory_space<vmem>>, vector<128x128xf32>
    %dot_general3A = arith.constant dense<0.000000e+00> : vector<2000x128xf32>
    %dot_general3A_5 = tpu.matmul %get3A_1, %get3A_4, %dot_general3A {dimension_numbers = #tpu.dot_dimension_numbers<[1], [0], [0], [1], [0, 0, 1, 1], [], []>, transpose_lhs_hint = false} : vector<2000x128xf32>, vector<128x128xf32>, vector<2000x128xf32> -> vector<2000x128xf32>
    %get3A_6 = arith.constant 0 : index
    %get3A_7 = arith.constant 0 : index
    %get3A_8 = vector.load %arg5[%get3A_6, %get3A_7] : memref<128x128xf32, #tpu.memory_space<vmem>>, vector<128x128xf32>
    %dot_general3A_9 = arith.constant dense<0.000000e+00> : vector<2000x128xf32>
    %dot_general3A_10 = tpu.matmul %get3A_1, %get3A_8, %dot_general3A_9 {dimension_numbers = #tpu.dot_dimension_numbers<[1], [0], [0], [1], [0, 0, 1, 1], [], []>, transpose_lhs_hint = false} : vector<2000x128xf32>, vector<128x128xf32>, vector<2000x128xf32> -> vector<2000x128xf32>
    %get3A_11 = arith.constant 0 : index
    %get3A_12 = arith.constant 0 : index
    %get3A_13 = vector.load %arg6[%get3A_11, %get3A_12] : memref<1x128xf32, #tpu.memory_space<vmem>>, vector<1x128xf32>
    %add3A = vector.broadcast %get3A_13 : vector<1x128xf32> to vector<2000x128xf32>
    %add3A_14 = arith.addf %dot_general3A_10, %add3A : vector<2000x128xf32>
    %get3A_15 = arith.constant 0 : index
    %get3A_16 = arith.constant 0 : index
    %get3A_17 = arith.constant 0 : index
    %get3A_18 = vector.load %arg2[%get3A_15, %get3A_16, %get3A_17] : memref<3x2000x16xf32, #tpu.memory_space<vmem>>, vector<1x2000x16xf32>
    %get3A_19 = vector.shape_cast %get3A_18 : vector<1x2000x16xf32> to vector<2000x16xf32>
    %get3A_20 = arith.constant 0 : index
    %get3A_21 = arith.constant 0 : index
    %get3A_22 = vector.load %arg7[%get3A_20, %get3A_21] : memref<16x16xf32, #tpu.memory_space<vmem>>, vector<16x16xf32>
    %dot_general3A_23 = arith.constant dense<0.000000e+00> : vector<2000x16xf32>
    %dot_general3A_24 = tpu.matmul %get3A_19, %get3A_22, %dot_general3A_23 {dimension_numbers = #tpu.dot_dimension_numbers<[1], [0], [0], [1], [0, 0, 1, 1], [], []>, transpose_lhs_hint = false} : vector<2000x16xf32>, vector<16x16xf32>, vector<2000x16xf32> -> vector<2000x16xf32>
    %get3A_25 = arith.constant 1 : index
    %get3A_26 = arith.constant 0 : index
    %get3A_27 = arith.constant 0 : index
    %get3A_28 = vector.load %arg2[%get3A_25, %get3A_26, %get3A_27] : memref<3x2000x16xf32, #tpu.memory_space<vmem>>, vector<1x2000x16xf32>
    %get3A_29 = vector.shape_cast %get3A_28 : vector<1x2000x16xf32> to vector<2000x16xf32>
    %get3A_30 = arith.constant 0 : index
    %get3A_31 = arith.constant 0 : index
    %get3A_32 = vector.load %arg7[%get3A_30, %get3A_31] : memref<16x16xf32, #tpu.memory_space<vmem>>, vector<16x16xf32>
    %dot_general3A_33 = arith.constant dense<0.000000e+00> : vector<2000x16xf32>
    %dot_general3A_34 = tpu.matmul %get3A_29, %get3A_32, %dot_general3A_33 {dimension_numbers = #tpu.dot_dimension_numbers<[1], [0], [0], [1], [0, 0, 1, 1], [], []>, transpose_lhs_hint = false} : vector<2000x16xf32>, vector<16x16xf32>, vector<2000x16xf32> -> vector<2000x16xf32>
    %get3A_35 = arith.constant 2 : index
    %get3A_36 = arith.constant 0 : index
    %get3A_37 = arith.constant 0 : index
    %get3A_38 = vector.load %arg2[%get3A_35, %get3A_36, %get3A_37] : memref<3x2000x16xf32, #tpu.memory_space<vmem>>, vector<1x2000x16xf32>
    %get3A_39 = vector.shape_cast %get3A_38 : vector<1x2000x16xf32> to vector<2000x16xf32>
    %get3A_40 = arith.constant 0 : index
    %get3A_41 = arith.constant 0 : index
    %get3A_42 = vector.load %arg7[%get3A_40, %get3A_41] : memref<16x16xf32, #tpu.memory_space<vmem>>, vector<16x16xf32>
    %dot_general3A_43 = arith.constant dense<0.000000e+00> : vector<2000x16xf32>
    %dot_general3A_44 = tpu.matmul %get3A_39, %get3A_42, %dot_general3A_43 {dimension_numbers = #tpu.dot_dimension_numbers<[1], [0], [0], [1], [0, 0, 1, 1], [], []>, transpose_lhs_hint = false} : vector<2000x16xf32>, vector<16x16xf32>, vector<2000x16xf32> -> vector<2000x16xf32>
    %get3A_45 = arith.constant 0 : index
    %get3A_46 = arith.constant 0 : index
    %get3A_47 = arith.constant 0 : index
    %get3A_48 = vector.load %arg2[%get3A_45, %get3A_46, %get3A_47] : memref<3x2000x16xf32, #tpu.memory_space<vmem>>, vector<1x2000x16xf32>
    %get3A_49 = vector.shape_cast %get3A_48 : vector<1x2000x16xf32> to vector<2000x16xf32>
    %get3A_50 = arith.constant 0 : index
    %get3A_51 = arith.constant 0 : index
    %get3A_52 = vector.load %arg8[%get3A_50, %get3A_51] : memref<16x16xf32, #tpu.memory_space<vmem>>, vector<16x16xf32>
    %dot_general3A_53 = arith.constant dense<0.000000e+00> : vector<2000x16xf32>
    %dot_general3A_54 = tpu.matmul %get3A_49, %get3A_52, %dot_general3A_53 {dimension_numbers = #tpu.dot_dimension_numbers<[1], [0], [0], [1], [0, 0, 1, 1], [], []>, transpose_lhs_hint = false} : vector<2000x16xf32>, vector<16x16xf32>, vector<2000x16xf32> -> vector<2000x16xf32>
    %get3A_55 = arith.constant 1 : index
    %get3A_56 = arith.constant 0 : index
    %get3A_57 = arith.constant 0 : index
    %get3A_58 = vector.load %arg2[%get3A_55, %get3A_56, %get3A_57] : memref<3x2000x16xf32, #tpu.memory_space<vmem>>, vector<1x2000x16xf32>
    %get3A_59 = vector.shape_cast %get3A_58 : vector<1x2000x16xf32> to vector<2000x16xf32>
    %get3A_60 = arith.constant 0 : index
    %get3A_61 = arith.constant 0 : index
    %get3A_62 = vector.load %arg8[%get3A_60, %get3A_61] : memref<16x16xf32, #tpu.memory_space<vmem>>, vector<16x16xf32>
    %dot_general3A_63 = arith.constant dense<0.000000e+00> : vector<2000x16xf32>
    %dot_general3A_64 = tpu.matmul %get3A_59, %get3A_62, %dot_general3A_63 {dimension_numbers = #tpu.dot_dimension_numbers<[1], [0], [0], [1], [0, 0, 1, 1], [], []>, transpose_lhs_hint = false} : vector<2000x16xf32>, vector<16x16xf32>, vector<2000x16xf32> -> vector<2000x16xf32>
    %get3A_65 = arith.constant 2 : index
    %get3A_66 = arith.constant 0 : index
    %get3A_67 = arith.constant 0 : index
    %get3A_68 = vector.load %arg2[%get3A_65, %get3A_66, %get3A_67] : memref<3x2000x16xf32, #tpu.memory_space<vmem>>, vector<1x2000x16xf32>
    %get3A_69 = vector.shape_cast %get3A_68 : vector<1x2000x16xf32> to vector<2000x16xf32>
    %get3A_70 = arith.constant 0 : index
    %get3A_71 = arith.constant 0 : index
    %get3A_72 = vector.load %arg8[%get3A_70, %get3A_71] : memref<16x16xf32, #tpu.memory_space<vmem>>, vector<16x16xf32>
    %dot_general3A_73 = arith.constant dense<0.000000e+00> : vector<2000x16xf32>
    %dot_general3A_74 = tpu.matmul %get3A_69, %get3A_72, %dot_general3A_73 {dimension_numbers = #tpu.dot_dimension_numbers<[1], [0], [0], [1], [0, 0, 1, 1], [], []>, transpose_lhs_hint = false} : vector<2000x16xf32>, vector<16x16xf32>, vector<2000x16xf32> -> vector<2000x16xf32>
    %concatenate3A = tpu.concatenate %dot_general3A_5, %dot_general3A_24, %dot_general3A_34, %dot_general3A_44 in 1 : vector<2000x128xf32>, vector<2000x16xf32>, vector<2000x16xf32>, vector<2000x16xf32> -> vector<2000x176xf32>
    %swap3A = arith.constant 0 : index
    %swap3A_75 = arith.constant 0 : index
    %swap3A_76 = vector.load %arg9[%swap3A, %swap3A_75] : memref<2000x176xf32, #tpu.memory_space<vmem>>, vector<2000x176xf32>
    tpu.vector_store %arg9[%swap3A, %swap3A_75], %concatenate3A {strides = array<i32>} : memref<2000x176xf32, #tpu.memory_space<vmem>>, vector<2000x176xf32>,
    %get3A_77 = arith.constant 0 : index
    %get3A_78 = arith.constant 0 : index
    %get3A_79 = vector.load %arg3[%get3A_77, %get3A_78] : memref<2000x16xf32, #tpu.memory_space<vmem>>, vector<2000x16xf32>
    %concatenate3A_80 = tpu.concatenate %add3A_14, %dot_general3A_54, %dot_general3A_64, %dot_general3A_74, %get3A_79 in 1 : vector<2000x128xf32>, vector<2000x16xf32>, vector<2000x16xf32>, vector<2000x16xf32>, vector<2000x16xf32> -> vector<2000x192xf32>
    %swap3A_81 = arith.constant 0 : index
    %swap3A_82 = arith.constant 0 : index
    %swap3A_83 = vector.load %arg10[%swap3A_81, %swap3A_82] : memref<2000x192xf32, #tpu.memory_space<vmem>>, vector<2000x192xf32>
    tpu.vector_store %arg10[%swap3A_81, %swap3A_82], %concatenate3A_80 {strides = array<i32>} : memref<2000x192xf32, #tpu.memory_space<vmem>>, vector<2000x192xf32>,
    return
  }
  func.func @transform_0(%arg0: i32) -> (i32, i32) {
    %c0_i32 = arith.constant 0 : i32
    %c0_i32_0 = arith.constant 0 : i32
    return %arg0, %c0_i32 : i32, i32
  }
  func.func @transform_1(%arg0: i32) -> (i32, i32, i32) {
    %c0_i32 = arith.constant 0 : i32
    %c0_i32_0 = arith.constant 0 : i32
    %c0_i32_1 = arith.constant 0 : i32
    return %c0_i32, %arg0, %c0_i32_0 : i32, i32, i32
  }
  func.func @transform_2(%arg0: i32) -> (i32, i32) {
    %c0_i32 = arith.constant 0 : i32
    %c0_i32_0 = arith.constant 0 : i32
    return %arg0, %c0_i32 : i32, i32
  }
  func.func @transform_3(%arg0: i32) -> (i32, i32) {
    %c0_i32 = arith.constant 0 : i32
    %c0_i32_0 = arith.constant 0 : i32
    %c0_i32_1 = arith.constant 0 : i32
    return %c0_i32, %c0_i32_0 : i32, i32
  }
  func.func @transform_4(%arg0: i32) -> (i32, i32) {
    %c0_i32 = arith.constant 0 : i32
    %c0_i32_0 = arith.constant 0 : i32
    %c0_i32_1 = arith.constant 0 : i32
    return %c0_i32, %c0_i32_0 : i32, i32
  }
  func.func @transform_5(%arg0: i32) -> (i32, i32) {
    %c0_i32 = arith.constant 0 : i32
    %c0_i32_0 = arith.constant 0 : i32
    %c0_i32_1 = arith.constant 0 : i32
    return %c0_i32, %c0_i32_0 : i32, i32
  }
  func.func @transform_6(%arg0: i32) -> (i32, i32) {
    %c0_i32 = arith.constant 0 : i32
    %c0_i32_0 = arith.constant 0 : i32
    %c0_i32_1 = arith.constant 0 : i32
    return %c0_i32, %c0_i32_0 : i32, i32
  }
  func.func @transform_7(%arg0: i32) -> (i32, i32) {
    %c0_i32 = arith.constant 0 : i32
    %c0_i32_0 = arith.constant 0 : i32
    %c0_i32_1 = arith.constant 0 : i32
    return %c0_i32, %c0_i32_0 : i32, i32
  }
  func.func @transform_8(%arg0: i32) -> (i32, i32) {
    %c0_i32 = arith.constant 0 : i32
    %c0_i32_0 = arith.constant 0 : i32
    return %arg0, %c0_i32 : i32, i32
  }
  func.func @transform_9(%arg0: i32) -> (i32, i32) {
    %c0_i32 = arith.constant 0 : i32
    %c0_i32_0 = arith.constant 0 : i32
    return %arg0, %c0_i32 : i32, i32
  }
}

module attributes {stable_mosaic.version = 14 : i64} {
  func.func @_edge_body(%arg0: i32, %arg1: memref<2000x176xf32, #tpu.memory_space<vmem>>, %arg2: memref<2000x192xf32, #tpu.memory_space<vmem>>, %arg3: memref<64x128xf32, #tpu.memory_space<vmem>>, %arg4: memref<1x128xf32, #tpu.memory_space<vmem>>, %arg5: memref<128x16xf32, #tpu.memory_space<vmem>>, %arg6: memref<1x16xf32, #tpu.memory_space<vmem>>, %arg7: memref<16x16xf32, #tpu.memory_space<vmem>>, %arg8: memref<2000x176xf32, #tpu.memory_space<vmem>>) attributes {dimension_semantics = [#tpu.dimension_semantics<arbitrary>], iteration_bounds = array<i64: 160>, scalar_prefetch = 0 : i64, scratch_operands = 0 : i64, tpu.core_type = #tpu.core_type<tc>, window_params = [{transform_indices = @transform_0, window_bounds = array<i64: 2000, 176>}, {transform_indices = @transform_1, window_bounds = array<i64: 2000, 192>}, {pipeline_mode = #tpu.pipeline_mode<synchronous>, transform_indices = @transform_2, window_bounds = array<i64: 64, 128>}, {pipeline_mode = #tpu.pipeline_mode<synchronous>, transform_indices = @transform_3, window_bounds = array<i64: 1, 128>}, {pipeline_mode = #tpu.pipeline_mode<synchronous>, transform_indices = @transform_4, window_bounds = array<i64: 128, 16>}, {pipeline_mode = #tpu.pipeline_mode<synchronous>, transform_indices = @transform_5, window_bounds = array<i64: 1, 16>}, {pipeline_mode = #tpu.pipeline_mode<synchronous>, transform_indices = @transform_6, window_bounds = array<i64: 16, 16>}, {transform_indices = @transform_7, window_bounds = array<i64: 2000, 176>}]} {
    %get3A = arith.constant 0 : index
    %get3A_0 = arith.constant 0 : index
    %get3A_1 = vector.load %arg1[%get3A, %get3A_0] : memref<2000x176xf32, #tpu.memory_space<vmem>>, vector<2000x176xf32>
    %get3A_2 = arith.constant 0 : index
    %get3A_3 = arith.constant 0 : index
    %get3A_4 = vector.load %arg2[%get3A_2, %get3A_3] : memref<2000x192xf32, #tpu.memory_space<vmem>>, vector<2000x192xf32>
    %slice3A = vector.extract_strided_slice %get3A_1 {offsets = [0, 128], sizes = [2000, 16], strides = [1, 1]} : vector<2000x176xf32> to vector<2000x16xf32>
    %slice3A_5 = vector.extract_strided_slice %get3A_4 {offsets = [0, 128], sizes = [2000, 16], strides = [1, 1]} : vector<2000x192xf32> to vector<2000x16xf32>
    %add3A = arith.addf %slice3A, %slice3A_5 : vector<2000x16xf32>
    %slice3A_6 = vector.extract_strided_slice %get3A_1 {offsets = [0, 144], sizes = [2000, 16], strides = [1, 1]} : vector<2000x176xf32> to vector<2000x16xf32>
    %slice3A_7 = vector.extract_strided_slice %get3A_4 {offsets = [0, 144], sizes = [2000, 16], strides = [1, 1]} : vector<2000x192xf32> to vector<2000x16xf32>
    %add3A_8 = arith.addf %slice3A_6, %slice3A_7 : vector<2000x16xf32>
    %slice3A_9 = vector.extract_strided_slice %get3A_1 {offsets = [0, 160], sizes = [2000, 16], strides = [1, 1]} : vector<2000x176xf32> to vector<2000x16xf32>
    %slice3A_10 = vector.extract_strided_slice %get3A_4 {offsets = [0, 160], sizes = [2000, 16], strides = [1, 1]} : vector<2000x192xf32> to vector<2000x16xf32>
    %add3A_11 = arith.addf %slice3A_9, %slice3A_10 : vector<2000x16xf32>
    %mul3A = arith.mulf %add3A, %add3A : vector<2000x16xf32>
    %mul3A_12 = arith.mulf %add3A_8, %add3A_8 : vector<2000x16xf32>
    %add3A_13 = arith.addf %mul3A, %mul3A_12 : vector<2000x16xf32>
    %mul3A_14 = arith.mulf %add3A_11, %add3A_11 : vector<2000x16xf32>
    %add3A_15 = arith.addf %add3A_13, %mul3A_14 : vector<2000x16xf32>
    %add3A_16 = arith.constant 9.99999993E-9 : f32
    %add3A_17 = vector.broadcast %add3A_16 : f32 to vector<2000x16xf32>
    %add3A_18 = arith.addf %add3A_15, %add3A_17 : vector<2000x16xf32>
    %sqrt3A = math.sqrt %add3A_18 : vector<2000x16xf32>
    %slice3A_19 = vector.extract_strided_slice %get3A_4 {offsets = [0, 176], sizes = [2000, 1], strides = [1, 1]} : vector<2000x192xf32> to vector<2000x1xf32>
    %mul3A_20 = vector.broadcast %slice3A_19 : vector<2000x1xf32> to vector<2000x16xf32>
    %mul3A_21 = arith.mulf %add3A, %mul3A_20 : vector<2000x16xf32>
    %slice3A_22 = vector.extract_strided_slice %get3A_4 {offsets = [0, 177], sizes = [2000, 1], strides = [1, 1]} : vector<2000x192xf32> to vector<2000x1xf32>
    %mul3A_23 = vector.broadcast %slice3A_22 : vector<2000x1xf32> to vector<2000x16xf32>
    %mul3A_24 = arith.mulf %add3A_8, %mul3A_23 : vector<2000x16xf32>
    %add3A_25 = arith.addf %mul3A_21, %mul3A_24 : vector<2000x16xf32>
    %slice3A_26 = vector.extract_strided_slice %get3A_4 {offsets = [0, 178], sizes = [2000, 1], strides = [1, 1]} : vector<2000x192xf32> to vector<2000x1xf32>
    %mul3A_27 = vector.broadcast %slice3A_26 : vector<2000x1xf32> to vector<2000x16xf32>
    %mul3A_28 = arith.mulf %add3A_11, %mul3A_27 : vector<2000x16xf32>
    %add3A_29 = arith.addf %add3A_25, %mul3A_28 : vector<2000x16xf32>
    %slice3A_30 = vector.extract_strided_slice %get3A_4 {offsets = [0, 179], sizes = [2000, 1], strides = [1, 1]} : vector<2000x192xf32> to vector<2000x1xf32>
    %mul3A_31 = vector.broadcast %slice3A_30 : vector<2000x1xf32> to vector<2000x16xf32>
    %mul3A_32 = arith.mulf %add3A, %mul3A_31 : vector<2000x16xf32>
    %slice3A_33 = vector.extract_strided_slice %get3A_4 {offsets = [0, 180], sizes = [2000, 1], strides = [1, 1]} : vector<2000x192xf32> to vector<2000x1xf32>
    %mul3A_34 = vector.broadcast %slice3A_33 : vector<2000x1xf32> to vector<2000x16xf32>
    %mul3A_35 = arith.mulf %add3A_8, %mul3A_34 : vector<2000x16xf32>
    %add3A_36 = arith.addf %mul3A_32, %mul3A_35 : vector<2000x16xf32>
    %slice3A_37 = vector.extract_strided_slice %get3A_4 {offsets = [0, 181], sizes = [2000, 1], strides = [1, 1]} : vector<2000x192xf32> to vector<2000x1xf32>
    %mul3A_38 = vector.broadcast %slice3A_37 : vector<2000x1xf32> to vector<2000x16xf32>
    %mul3A_39 = arith.mulf %add3A_11, %mul3A_38 : vector<2000x16xf32>
    %add3A_40 = arith.addf %add3A_36, %mul3A_39 : vector<2000x16xf32>
    %slice3A_41 = vector.extract_strided_slice %get3A_4 {offsets = [0, 182], sizes = [2000, 1], strides = [1, 1]} : vector<2000x192xf32> to vector<2000x1xf32>
    %mul3A_42 = vector.broadcast %slice3A_41 : vector<2000x1xf32> to vector<2000x16xf32>
    %mul3A_43 = arith.mulf %add3A, %mul3A_42 : vector<2000x16xf32>
    %slice3A_44 = vector.extract_strided_slice %get3A_4 {offsets = [0, 183], sizes = [2000, 1], strides = [1, 1]} : vector<2000x192xf32> to vector<2000x1xf32>
    %mul3A_45 = vector.broadcast %slice3A_44 : vector<2000x1xf32> to vector<2000x16xf32>
    %mul3A_46 = arith.mulf %add3A_8, %mul3A_45 : vector<2000x16xf32>
    %add3A_47 = arith.addf %mul3A_43, %mul3A_46 : vector<2000x16xf32>
    %slice3A_48 = vector.extract_strided_slice %get3A_4 {offsets = [0, 184], sizes = [2000, 1], strides = [1, 1]} : vector<2000x192xf32> to vector<2000x1xf32>
    %mul3A_49 = vector.broadcast %slice3A_48 : vector<2000x1xf32> to vector<2000x16xf32>
    %mul3A_50 = arith.mulf %add3A_11, %mul3A_49 : vector<2000x16xf32>
    %add3A_51 = arith.addf %add3A_47, %mul3A_50 : vector<2000x16xf32>
    %concatenate3A = tpu.concatenate %sqrt3A, %add3A_29, %add3A_40, %add3A_51 in 1 : vector<2000x16xf32>, vector<2000x16xf32>, vector<2000x16xf32>, vector<2000x16xf32> -> vector<2000x64xf32>
    %slice3A_52 = vector.extract_strided_slice %get3A_1 {offsets = [0, 0], sizes = [2000, 128], strides = [1, 1]} : vector<2000x176xf32> to vector<2000x128xf32>
    %slice3A_53 = vector.extract_strided_slice %get3A_4 {offsets = [0, 0], sizes = [2000, 128], strides = [1, 1]} : vector<2000x192xf32> to vector<2000x128xf32>
    %add3A_54 = arith.addf %slice3A_52, %slice3A_53 : vector<2000x128xf32>
    %get3A_55 = arith.constant 0 : index
    %get3A_56 = arith.constant 0 : index
    %get3A_57 = vector.load %arg3[%get3A_55, %get3A_56] : memref<64x128xf32, #tpu.memory_space<vmem>>, vector<64x128xf32>
    %dot_general3A = arith.constant dense<0.000000e+00> : vector<2000x128xf32>
    %dot_general3A_58 = tpu.matmul %concatenate3A, %get3A_57, %dot_general3A {dimension_numbers = #tpu.dot_dimension_numbers<[1], [0], [0], [1], [0, 0, 1, 1], [], []>, transpose_lhs_hint = false} : vector<2000x64xf32>, vector<64x128xf32>, vector<2000x128xf32> -> vector<2000x128xf32>
    %add3A_59 = arith.addf %add3A_54, %dot_general3A_58 : vector<2000x128xf32>
    %logistic3A = arith.negf %add3A_59 : vector<2000x128xf32>
    %logistic3A_60 = math.exp %logistic3A : vector<2000x128xf32>
    %logistic3A_61 = arith.constant 1.000000e+00 : f32
    %logistic3A_62 = vector.broadcast %logistic3A_61 : f32 to vector<2000x128xf32>
    %logistic3A_63 = arith.addf %logistic3A_62, %logistic3A_60 : vector<2000x128xf32>
    %logistic3A_64 = arith.divf %logistic3A_62, %logistic3A_63 : vector<2000x128xf32>
    %mul3A_65 = arith.mulf %add3A_59, %logistic3A_64 : vector<2000x128xf32>
    %get3A_66 = arith.constant 0 : index
    %get3A_67 = arith.constant 0 : index
    %get3A_68 = vector.load %arg4[%get3A_66, %get3A_67] : memref<1x128xf32, #tpu.memory_space<vmem>>, vector<1x128xf32>
    %mul3A_69 = vector.broadcast %get3A_68 : vector<1x128xf32> to vector<2000x128xf32>
    %mul3A_70 = arith.mulf %mul3A_65, %mul3A_69 : vector<2000x128xf32>
    %reduce_sum3A = arith.constant dense<0.000000e+00> : vector<2000xf32>
    %reduce_sum3A_71 = vector.multi_reduction <add>, %mul3A_70, %reduce_sum3A [1] : vector<2000x128xf32> to vector<2000xf32>
    %broadcast_in_dim3A = vector.shape_cast %reduce_sum3A_71 : vector<2000xf32> to vector<2000x1xf32>
    %logistic3A_72 = arith.negf %broadcast_in_dim3A : vector<2000x1xf32>
    %logistic3A_73 = math.exp %logistic3A_72 : vector<2000x1xf32>
    %logistic3A_74 = arith.constant 1.000000e+00 : f32
    %logistic3A_75 = vector.broadcast %logistic3A_74 : f32 to vector<2000x1xf32>
    %logistic3A_76 = arith.addf %logistic3A_75, %logistic3A_73 : vector<2000x1xf32>
    %logistic3A_77 = arith.divf %logistic3A_75, %logistic3A_76 : vector<2000x1xf32>
    %get3A_78 = arith.constant 0 : index
    %get3A_79 = arith.constant 0 : index
    %get3A_80 = vector.load %arg5[%get3A_78, %get3A_79] : memref<128x16xf32, #tpu.memory_space<vmem>>, vector<128x16xf32>
    %dot_general3A_81 = arith.constant dense<0.000000e+00> : vector<2000x16xf32>
    %dot_general3A_82 = tpu.matmul %add3A_59, %get3A_80, %dot_general3A_81 {dimension_numbers = #tpu.dot_dimension_numbers<[1], [0], [0], [1], [0, 0, 1, 1], [], []>, transpose_lhs_hint = false} : vector<2000x128xf32>, vector<128x16xf32>, vector<2000x16xf32> -> vector<2000x16xf32>
    %get3A_83 = arith.constant 0 : index
    %get3A_84 = arith.constant 0 : index
    %get3A_85 = vector.load %arg6[%get3A_83, %get3A_84] : memref<1x16xf32, #tpu.memory_space<vmem>>, vector<1x16xf32>
    %add3A_86 = vector.broadcast %get3A_85 : vector<1x16xf32> to vector<2000x16xf32>
    %add3A_87 = arith.addf %dot_general3A_82, %add3A_86 : vector<2000x16xf32>
    %logistic3A_88 = arith.negf %add3A_87 : vector<2000x16xf32>
    %logistic3A_89 = math.exp %logistic3A_88 : vector<2000x16xf32>
    %logistic3A_90 = arith.constant 1.000000e+00 : f32
    %logistic3A_91 = vector.broadcast %logistic3A_90 : f32 to vector<2000x16xf32>
    %logistic3A_92 = arith.addf %logistic3A_91, %logistic3A_89 : vector<2000x16xf32>
    %logistic3A_93 = arith.divf %logistic3A_91, %logistic3A_92 : vector<2000x16xf32>
    %mul3A_94 = vector.broadcast %logistic3A_77 : vector<2000x1xf32> to vector<2000x16xf32>
    %mul3A_95 = arith.mulf %logistic3A_93, %mul3A_94 : vector<2000x16xf32>
    %get3A_96 = arith.constant 0 : index
    %get3A_97 = arith.constant 0 : index
    %get3A_98 = vector.load %arg7[%get3A_96, %get3A_97] : memref<16x16xf32, #tpu.memory_space<vmem>>, vector<16x16xf32>
    %dot_general3A_99 = arith.constant dense<0.000000e+00> : vector<2000x16xf32>
    %dot_general3A_100 = tpu.matmul %add3A, %get3A_98, %dot_general3A_99 {dimension_numbers = #tpu.dot_dimension_numbers<[1], [0], [0], [1], [0, 0, 1, 1], [], []>, transpose_lhs_hint = false} : vector<2000x16xf32>, vector<16x16xf32>, vector<2000x16xf32> -> vector<2000x16xf32>
    %mul3A_101 = arith.mulf %dot_general3A_100, %mul3A_95 : vector<2000x16xf32>
    %get3A_102 = arith.constant 0 : index
    %get3A_103 = arith.constant 0 : index
    %get3A_104 = vector.load %arg7[%get3A_102, %get3A_103] : memref<16x16xf32, #tpu.memory_space<vmem>>, vector<16x16xf32>
    %dot_general3A_105 = arith.constant dense<0.000000e+00> : vector<2000x16xf32>
    %dot_general3A_106 = tpu.matmul %add3A_8, %get3A_104, %dot_general3A_105 {dimension_numbers = #tpu.dot_dimension_numbers<[1], [0], [0], [1], [0, 0, 1, 1], [], []>, transpose_lhs_hint = false} : vector<2000x16xf32>, vector<16x16xf32>, vector<2000x16xf32> -> vector<2000x16xf32>
    %mul3A_107 = arith.mulf %dot_general3A_106, %mul3A_95 : vector<2000x16xf32>
    %get3A_108 = arith.constant 0 : index
    %get3A_109 = arith.constant 0 : index
    %get3A_110 = vector.load %arg7[%get3A_108, %get3A_109] : memref<16x16xf32, #tpu.memory_space<vmem>>, vector<16x16xf32>
    %dot_general3A_111 = arith.constant dense<0.000000e+00> : vector<2000x16xf32>
    %dot_general3A_112 = tpu.matmul %add3A_11, %get3A_110, %dot_general3A_111 {dimension_numbers = #tpu.dot_dimension_numbers<[1], [0], [0], [1], [0, 0, 1, 1], [], []>, transpose_lhs_hint = false} : vector<2000x16xf32>, vector<16x16xf32>, vector<2000x16xf32> -> vector<2000x16xf32>
    %mul3A_113 = arith.mulf %dot_general3A_112, %mul3A_95 : vector<2000x16xf32>
    %mul3A_114 = vector.broadcast %logistic3A_77 : vector<2000x1xf32> to vector<2000x128xf32>
    %mul3A_115 = arith.mulf %mul3A_65, %mul3A_114 : vector<2000x128xf32>
    %concatenate3A_116 = tpu.concatenate %mul3A_115, %mul3A_101, %mul3A_107, %mul3A_113 in 1 : vector<2000x128xf32>, vector<2000x16xf32>, vector<2000x16xf32>, vector<2000x16xf32> -> vector<2000x176xf32>
    %swap3A = arith.constant 0 : index
    %swap3A_117 = arith.constant 0 : index
    %swap3A_118 = vector.load %arg8[%swap3A, %swap3A_117] : memref<2000x176xf32, #tpu.memory_space<vmem>>, vector<2000x176xf32>
    tpu.vector_store %arg8[%swap3A, %swap3A_117], %concatenate3A_116 {strides = array<i32>} : memref<2000x176xf32, #tpu.memory_space<vmem>>, vector<2000x176xf32>,
    return
  }
  func.func @transform_0(%arg0: i32) -> (i32, i32) {
    %c0_i32 = arith.constant 0 : i32
    %c0_i32_0 = arith.constant 0 : i32
    return %arg0, %c0_i32 : i32, i32
  }
  func.func @transform_1(%arg0: i32) -> (i32, i32) {
    %c0_i32 = arith.constant 0 : i32
    %c0_i32_0 = arith.constant 0 : i32
    return %arg0, %c0_i32 : i32, i32
  }
  func.func @transform_2(%arg0: i32) -> (i32, i32) {
    %c0_i32 = arith.constant 0 : i32
    %c0_i32_0 = arith.constant 0 : i32
    %c0_i32_1 = arith.constant 0 : i32
    return %c0_i32, %c0_i32_0 : i32, i32
  }
  func.func @transform_3(%arg0: i32) -> (i32, i32) {
    %c0_i32 = arith.constant 0 : i32
    %c0_i32_0 = arith.constant 0 : i32
    %c0_i32_1 = arith.constant 0 : i32
    return %c0_i32, %c0_i32_0 : i32, i32
  }
  func.func @transform_4(%arg0: i32) -> (i32, i32) {
    %c0_i32 = arith.constant 0 : i32
    %c0_i32_0 = arith.constant 0 : i32
    %c0_i32_1 = arith.constant 0 : i32
    return %c0_i32, %c0_i32_0 : i32, i32
  }
  func.func @transform_5(%arg0: i32) -> (i32, i32) {
    %c0_i32 = arith.constant 0 : i32
    %c0_i32_0 = arith.constant 0 : i32
    %c0_i32_1 = arith.constant 0 : i32
    return %c0_i32, %c0_i32_0 : i32, i32
  }
  func.func @transform_6(%arg0: i32) -> (i32, i32) {
    %c0_i32 = arith.constant 0 : i32
    %c0_i32_0 = arith.constant 0 : i32
    %c0_i32_1 = arith.constant 0 : i32
    return %c0_i32, %c0_i32_0 : i32, i32
  }
  func.func @transform_7(%arg0: i32) -> (i32, i32) {
    %c0_i32 = arith.constant 0 : i32
    %c0_i32_0 = arith.constant 0 : i32
    return %arg0, %c0_i32 : i32, i32
  }
}

module attributes {stable_mosaic.version = 14 : i64} {
  func.func @_ff_body(%arg0: i32, %arg1: memref<2x1000x176xf32, #tpu.memory_space<vmem>>, %arg2: memref<1000x128xf32, #tpu.memory_space<vmem>>, %arg3: memref<3x1000x16xf32, #tpu.memory_space<vmem>>, %arg4: memref<1000x16xf32, #tpu.memory_space<vmem>>, %arg5: memref<128x512xf32, #tpu.memory_space<vmem>>, %arg6: memref<128x512xf32, #tpu.memory_space<vmem>>, %arg7: memref<128x512xf32, #tpu.memory_space<vmem>>, %arg8: memref<1x512xf32, #tpu.memory_space<vmem>>, %arg9: memref<16x32xf32, #tpu.memory_space<vmem>>, %arg10: memref<16x32xf32, #tpu.memory_space<vmem>>, %arg11: memref<32x32xf32, #tpu.memory_space<vmem>>, %arg12: memref<512x32xf32, #tpu.memory_space<vmem>>, %arg13: memref<1x32xf32, #tpu.memory_space<vmem>>, %arg14: memref<512x128xf32, #tpu.memory_space<vmem>>, %arg15: memref<64x128xf32, #tpu.memory_space<vmem>>, %arg16: memref<1x128xf32, #tpu.memory_space<vmem>>, %arg17: memref<32x16xf32, #tpu.memory_space<vmem>>, %arg18: memref<16x16xf32, #tpu.memory_space<vmem>>, %arg19: memref<128x16xf32, #tpu.memory_space<vmem>>, %arg20: memref<1x16xf32, #tpu.memory_space<vmem>>, %arg21: memref<1x128xf32, #tpu.memory_space<vmem>>, %arg22: memref<1x128xf32, #tpu.memory_space<vmem>>, %arg23: memref<1000x128xf32, #tpu.memory_space<vmem>>, %arg24: memref<3x1000x16xf32, #tpu.memory_space<vmem>>) attributes {dimension_semantics = [#tpu.dimension_semantics<arbitrary>], iteration_bounds = array<i64: 10>, scalar_prefetch = 0 : i64, scratch_operands = 0 : i64, tpu.core_type = #tpu.core_type<tc>, window_params = [{transform_indices = @transform_0, window_bounds = array<i64: 2, 1000, 176>}, {transform_indices = @transform_1, window_bounds = array<i64: 1000, 128>}, {transform_indices = @transform_2, window_bounds = array<i64: 3, 1000, 16>}, {transform_indices = @transform_3, window_bounds = array<i64: 1000, 16>}, {pipeline_mode = #tpu.pipeline_mode<synchronous>, transform_indices = @transform_4, window_bounds = array<i64: 128, 512>}, {pipeline_mode = #tpu.pipeline_mode<synchronous>, transform_indices = @transform_5, window_bounds = array<i64: 128, 512>}, {pipeline_mode = #tpu.pipeline_mode<synchronous>, transform_indices = @transform_6, window_bounds = array<i64: 128, 512>}, {pipeline_mode = #tpu.pipeline_mode<synchronous>, transform_indices = @transform_7, window_bounds = array<i64: 1, 512>}, {pipeline_mode = #tpu.pipeline_mode<synchronous>, transform_indices = @transform_8, window_bounds = array<i64: 16, 32>}, {pipeline_mode = #tpu.pipeline_mode<synchronous>, transform_indices = @transform_9, window_bounds = array<i64: 16, 32>}, {pipeline_mode = #tpu.pipeline_mode<synchronous>, transform_indices = @transform_10, window_bounds = array<i64: 32, 32>}, {pipeline_mode = #tpu.pipeline_mode<synchronous>, transform_indices = @transform_11, window_bounds = array<i64: 512, 32>}, {pipeline_mode = #tpu.pipeline_mode<synchronous>, transform_indices = @transform_12, window_bounds = array<i64: 1, 32>}, {pipeline_mode = #tpu.pipeline_mode<synchronous>, transform_indices = @transform_13, window_bounds = array<i64: 512, 128>}, {pipeline_mode = #tpu.pipeline_mode<synchronous>, transform_indices = @transform_14, window_bounds = array<i64: 64, 128>}, {pipeline_mode = #tpu.pipeline_mode<synchronous>, transform_indices = @transform_15, window_bounds = array<i64: 1, 128>}, {pipeline_mode = #tpu.pipeline_mode<synchronous>, transform_indices = @transform_16, window_bounds = array<i64: 32, 16>}, {pipeline_mode = #tpu.pipeline_mode<synchronous>, transform_indices = @transform_17, window_bounds = array<i64: 16, 16>}, {pipeline_mode = #tpu.pipeline_mode<synchronous>, transform_indices = @transform_18, window_bounds = array<i64: 128, 16>}, {pipeline_mode = #tpu.pipeline_mode<synchronous>, transform_indices = @transform_19, window_bounds = array<i64: 1, 16>}, {pipeline_mode = #tpu.pipeline_mode<synchronous>, transform_indices = @transform_20, window_bounds = array<i64: 1, 128>}, {pipeline_mode = #tpu.pipeline_mode<synchronous>, transform_indices = @transform_21, window_bounds = array<i64: 1, 128>}, {transform_indices = @transform_22, window_bounds = array<i64: 1000, 128>}, {transform_indices = @transform_23, window_bounds = array<i64: 3, 1000, 16>}]} {
    %get3A = arith.constant 0 : index
    %get3A_0 = arith.constant 0 : index
    %get3A_1 = vector.load %arg2[%get3A, %get3A_0] : memref<1000x128xf32, #tpu.memory_space<vmem>>, vector<1000x128xf32>
    %get3A_2 = arith.constant 0 : index
    %get3A_3 = arith.constant 0 : index
    %get3A_4 = vector.load %arg4[%get3A_2, %get3A_3] : memref<1000x16xf32, #tpu.memory_space<vmem>>, vector<1000x16xf32>
    %get3A_5 = arith.constant 0 : index
    %get3A_6 = arith.constant 0 : index
    %get3A_7 = arith.constant 0 : index
    %get3A_8 = vector.load %arg1[%get3A_5, %get3A_6, %get3A_7] : memref<2x1000x176xf32, #tpu.memory_space<vmem>>, vector<1x1000x128xf32>
    %get3A_9 = vector.shape_cast %get3A_8 : vector<1x1000x128xf32> to vector<1000x128xf32>
    %get3A_10 = arith.constant 1 : index
    %get3A_11 = arith.constant 0 : index
    %get3A_12 = arith.constant 0 : index
    %get3A_13 = vector.load %arg1[%get3A_10, %get3A_11, %get3A_12] : memref<2x1000x176xf32, #tpu.memory_space<vmem>>, vector<1x1000x128xf32>
    %get3A_14 = vector.shape_cast %get3A_13 : vector<1x1000x128xf32> to vector<1000x128xf32>
    %add3A = arith.addf %get3A_9, %get3A_14 : vector<1000x128xf32>
    %get3A_15 = arith.constant 0 : index
    %get3A_16 = arith.constant 0 : index
    %get3A_17 = vector.load %arg5[%get3A_15, %get3A_16] : memref<128x512xf32, #tpu.memory_space<vmem>>, vector<128x512xf32>
    %dot_general3A = arith.constant dense<0.000000e+00> : vector<1000x512xf32>
    %dot_general3A_18 = tpu.matmul %add3A, %get3A_17, %dot_general3A {dimension_numbers = #tpu.dot_dimension_numbers<[1], [0], [0], [1], [0, 0, 1, 1], [], []>, transpose_lhs_hint = false} : vector<1000x128xf32>, vector<128x512xf32>, vector<1000x512xf32> -> vector<1000x512xf32>
    %get3A_19 = arith.constant 0 : index
    %get3A_20 = arith.constant 0 : index
    %get3A_21 = vector.load %arg6[%get3A_19, %get3A_20] : memref<128x512xf32, #tpu.memory_space<vmem>>, vector<128x512xf32>
    %dot_general3A_22 = arith.constant dense<0.000000e+00> : vector<1000x512xf32>
    %dot_general3A_23 = tpu.matmul %get3A_1, %get3A_21, %dot_general3A_22 {dimension_numbers = #tpu.dot_dimension_numbers<[1], [0], [0], [1], [0, 0, 1, 1], [], []>, transpose_lhs_hint = false} : vector<1000x128xf32>, vector<128x512xf32>, vector<1000x512xf32> -> vector<1000x512xf32>
    %add3A_24 = arith.addf %dot_general3A_18, %dot_general3A_23 : vector<1000x512xf32>
    %get3A_25 = arith.constant 0 : index
    %get3A_26 = arith.constant 0 : index
    %get3A_27 = vector.load %arg8[%get3A_25, %get3A_26] : memref<1x512xf32, #tpu.memory_space<vmem>>, vector<1x512xf32>
    %add3A_28 = vector.broadcast %get3A_27 : vector<1x512xf32> to vector<1000x512xf32>
    %add3A_29 = arith.addf %add3A_24, %add3A_28 : vector<1000x512xf32>
    %get3A_30 = arith.constant 0 : index
    %get3A_31 = arith.constant 0 : index
    %get3A_32 = arith.constant 128 : index
    %get3A_33 = vector.load %arg1[%get3A_30, %get3A_31, %get3A_32] : memref<2x1000x176xf32, #tpu.memory_space<vmem>>, vector<1x1000x16xf32>
    %get3A_34 = vector.shape_cast %get3A_33 : vector<1x1000x16xf32> to vector<1000x16xf32>
    %get3A_35 = arith.constant 1 : index
    %get3A_36 = arith.constant 0 : index
    %get3A_37 = arith.constant 128 : index
    %get3A_38 = vector.load %arg1[%get3A_35, %get3A_36, %get3A_37] : memref<2x1000x176xf32, #tpu.memory_space<vmem>>, vector<1x1000x16xf32>
    %get3A_39 = vector.shape_cast %get3A_38 : vector<1x1000x16xf32> to vector<1000x16xf32>
    %add3A_40 = arith.addf %get3A_34, %get3A_39 : vector<1000x16xf32>
    %get3A_41 = arith.constant 0 : index
    %get3A_42 = arith.constant 0 : index
    %get3A_43 = vector.load %arg9[%get3A_41, %get3A_42] : memref<16x32xf32, #tpu.memory_space<vmem>>, vector<16x32xf32>
    %dot_general3A_44 = arith.constant dense<0.000000e+00> : vector<1000x32xf32>
    %dot_general3A_45 = tpu.matmul %add3A_40, %get3A_43, %dot_general3A_44 {dimension_numbers = #tpu.dot_dimension_numbers<[1], [0], [0], [1], [0, 0, 1, 1], [], []>, transpose_lhs_hint = false} : vector<1000x16xf32>, vector<16x32xf32>, vector<1000x32xf32> -> vector<1000x32xf32>
    %get3A_46 = arith.constant 0 : index
    %get3A_47 = arith.constant 0 : index
    %get3A_48 = arith.constant 0 : index
    %get3A_49 = vector.load %arg3[%get3A_46, %get3A_47, %get3A_48] : memref<3x1000x16xf32, #tpu.memory_space<vmem>>, vector<1x1000x16xf32>
    %get3A_50 = vector.shape_cast %get3A_49 : vector<1x1000x16xf32> to vector<1000x16xf32>
    %get3A_51 = arith.constant 0 : index
    %get3A_52 = arith.constant 0 : index
    %get3A_53 = vector.load %arg10[%get3A_51, %get3A_52] : memref<16x32xf32, #tpu.memory_space<vmem>>, vector<16x32xf32>
    %dot_general3A_54 = arith.constant dense<0.000000e+00> : vector<1000x32xf32>
    %dot_general3A_55 = tpu.matmul %get3A_50, %get3A_53, %dot_general3A_54 {dimension_numbers = #tpu.dot_dimension_numbers<[1], [0], [0], [1], [0, 0, 1, 1], [], []>, transpose_lhs_hint = false} : vector<1000x16xf32>, vector<16x32xf32>, vector<1000x32xf32> -> vector<1000x32xf32>
    %add3A_56 = arith.addf %dot_general3A_45, %dot_general3A_55 : vector<1000x32xf32>
    %get3A_57 = arith.constant 0 : index
    %get3A_58 = arith.constant 0 : index
    %get3A_59 = arith.constant 144 : index
    %get3A_60 = vector.load %arg1[%get3A_57, %get3A_58, %get3A_59] : memref<2x1000x176xf32, #tpu.memory_space<vmem>>, vector<1x1000x16xf32>
    %get3A_61 = vector.shape_cast %get3A_60 : vector<1x1000x16xf32> to vector<1000x16xf32>
    %get3A_62 = arith.constant 1 : index
    %get3A_63 = arith.constant 0 : index
    %get3A_64 = arith.constant 144 : index
    %get3A_65 = vector.load %arg1[%get3A_62, %get3A_63, %get3A_64] : memref<2x1000x176xf32, #tpu.memory_space<vmem>>, vector<1x1000x16xf32>
    %get3A_66 = vector.shape_cast %get3A_65 : vector<1x1000x16xf32> to vector<1000x16xf32>
    %add3A_67 = arith.addf %get3A_61, %get3A_66 : vector<1000x16xf32>
    %get3A_68 = arith.constant 0 : index
    %get3A_69 = arith.constant 0 : index
    %get3A_70 = vector.load %arg9[%get3A_68, %get3A_69] : memref<16x32xf32, #tpu.memory_space<vmem>>, vector<16x32xf32>
    %dot_general3A_71 = arith.constant dense<0.000000e+00> : vector<1000x32xf32>
    %dot_general3A_72 = tpu.matmul %add3A_67, %get3A_70, %dot_general3A_71 {dimension_numbers = #tpu.dot_dimension_numbers<[1], [0], [0], [1], [0, 0, 1, 1], [], []>, transpose_lhs_hint = false} : vector<1000x16xf32>, vector<16x32xf32>, vector<1000x32xf32> -> vector<1000x32xf32>
    %get3A_73 = arith.constant 1 : index
    %get3A_74 = arith.constant 0 : index
    %get3A_75 = arith.constant 0 : index
    %get3A_76 = vector.load %arg3[%get3A_73, %get3A_74, %get3A_75] : memref<3x1000x16xf32, #tpu.memory_space<vmem>>, vector<1x1000x16xf32>
    %get3A_77 = vector.shape_cast %get3A_76 : vector<1x1000x16xf32> to vector<1000x16xf32>
    %get3A_78 = arith.constant 0 : index
    %get3A_79 = arith.constant 0 : index
    %get3A_80 = vector.load %arg10[%get3A_78, %get3A_79] : memref<16x32xf32, #tpu.memory_space<vmem>>, vector<16x32xf32>
    %dot_general3A_81 = arith.constant dense<0.000000e+00> : vector<1000x32xf32>
    %dot_general3A_82 = tpu.matmul %get3A_77, %get3A_80, %dot_general3A_81 {dimension_numbers = #tpu.dot_dimension_numbers<[1], [0], [0], [1], [0, 0, 1, 1], [], []>, transpose_lhs_hint = false} : vector<1000x16xf32>, vector<16x32xf32>, vector<1000x32xf32> -> vector<1000x32xf32>
    %add3A_83 = arith.addf %dot_general3A_72, %dot_general3A_82 : vector<1000x32xf32>
    %get3A_84 = arith.constant 0 : index
    %get3A_85 = arith.constant 0 : index
    %get3A_86 = arith.constant 160 : index
    %get3A_87 = vector.load %arg1[%get3A_84, %get3A_85, %get3A_86] : memref<2x1000x176xf32, #tpu.memory_space<vmem>>, vector<1x1000x16xf32>
    %get3A_88 = vector.shape_cast %get3A_87 : vector<1x1000x16xf32> to vector<1000x16xf32>
    %get3A_89 = arith.constant 1 : index
    %get3A_90 = arith.constant 0 : index
    %get3A_91 = arith.constant 160 : index
    %get3A_92 = vector.load %arg1[%get3A_89, %get3A_90, %get3A_91] : memref<2x1000x176xf32, #tpu.memory_space<vmem>>, vector<1x1000x16xf32>
    %get3A_93 = vector.shape_cast %get3A_92 : vector<1x1000x16xf32> to vector<1000x16xf32>
    %add3A_94 = arith.addf %get3A_88, %get3A_93 : vector<1000x16xf32>
    %get3A_95 = arith.constant 0 : index
    %get3A_96 = arith.constant 0 : index
    %get3A_97 = vector.load %arg9[%get3A_95, %get3A_96] : memref<16x32xf32, #tpu.memory_space<vmem>>, vector<16x32xf32>
    %dot_general3A_98 = arith.constant dense<0.000000e+00> : vector<1000x32xf32>
    %dot_general3A_99 = tpu.matmul %add3A_94, %get3A_97, %dot_general3A_98 {dimension_numbers = #tpu.dot_dimension_numbers<[1], [0], [0], [1], [0, 0, 1, 1], [], []>, transpose_lhs_hint = false} : vector<1000x16xf32>, vector<16x32xf32>, vector<1000x32xf32> -> vector<1000x32xf32>
    %get3A_100 = arith.constant 2 : index
    %get3A_101 = arith.constant 0 : index
    %get3A_102 = arith.constant 0 : index
    %get3A_103 = vector.load %arg3[%get3A_100, %get3A_101, %get3A_102] : memref<3x1000x16xf32, #tpu.memory_space<vmem>>, vector<1x1000x16xf32>
    %get3A_104 = vector.shape_cast %get3A_103 : vector<1x1000x16xf32> to vector<1000x16xf32>
    %get3A_105 = arith.constant 0 : index
    %get3A_106 = arith.constant 0 : index
    %get3A_107 = vector.load %arg10[%get3A_105, %get3A_106] : memref<16x32xf32, #tpu.memory_space<vmem>>, vector<16x32xf32>
    %dot_general3A_108 = arith.constant dense<0.000000e+00> : vector<1000x32xf32>
    %dot_general3A_109 = tpu.matmul %get3A_104, %get3A_107, %dot_general3A_108 {dimension_numbers = #tpu.dot_dimension_numbers<[1], [0], [0], [1], [0, 0, 1, 1], [], []>, transpose_lhs_hint = false} : vector<1000x16xf32>, vector<16x32xf32>, vector<1000x32xf32> -> vector<1000x32xf32>
    %add3A_110 = arith.addf %dot_general3A_99, %dot_general3A_109 : vector<1000x32xf32>
    %mul3A = arith.mulf %add3A_56, %add3A_56 : vector<1000x32xf32>
    %mul3A_111 = arith.mulf %add3A_83, %add3A_83 : vector<1000x32xf32>
    %add3A_112 = arith.addf %mul3A, %mul3A_111 : vector<1000x32xf32>
    %mul3A_113 = arith.mulf %add3A_110, %add3A_110 : vector<1000x32xf32>
    %add3A_114 = arith.addf %add3A_112, %mul3A_113 : vector<1000x32xf32>
    %add3A_115 = arith.constant 9.99999993E-9 : f32
    %add3A_116 = vector.broadcast %add3A_115 : f32 to vector<1000x32xf32>
    %add3A_117 = arith.addf %add3A_114, %add3A_116 : vector<1000x32xf32>
    %sqrt3A = math.sqrt %add3A_117 : vector<1000x32xf32>
    %slice3A = vector.extract_strided_slice %get3A_4 {offsets = [0, 0], sizes = [1000, 1], strides = [1, 1]} : vector<1000x16xf32> to vector<1000x1xf32>
    %mul3A_118 = vector.broadcast %slice3A : vector<1000x1xf32> to vector<1000x32xf32>
    %mul3A_119 = arith.mulf %add3A_56, %mul3A_118 : vector<1000x32xf32>
    %slice3A_120 = vector.extract_strided_slice %get3A_4 {offsets = [0, 1], sizes = [1000, 1], strides = [1, 1]} : vector<1000x16xf32> to vector<1000x1xf32>
    %mul3A_121 = vector.broadcast %slice3A_120 : vector<1000x1xf32> to vector<1000x32xf32>
    %mul3A_122 = arith.mulf %add3A_83, %mul3A_121 : vector<1000x32xf32>
    %add3A_123 = arith.addf %mul3A_119, %mul3A_122 : vector<1000x32xf32>
    %slice3A_124 = vector.extract_strided_slice %get3A_4 {offsets = [0, 2], sizes = [1000, 1], strides = [1, 1]} : vector<1000x16xf32> to vector<1000x1xf32>
    %mul3A_125 = vector.broadcast %slice3A_124 : vector<1000x1xf32> to vector<1000x32xf32>
    %mul3A_126 = arith.mulf %add3A_110, %mul3A_125 : vector<1000x32xf32>
    %add3A_127 = arith.addf %add3A_123, %mul3A_126 : vector<1000x32xf32>
    %slice3A_128 = vector.extract_strided_slice %get3A_4 {offsets = [0, 3], sizes = [1000, 1], strides = [1, 1]} : vector<1000x16xf32> to vector<1000x1xf32>
    %mul3A_129 = vector.broadcast %slice3A_128 : vector<1000x1xf32> to vector<1000x32xf32>
    %mul3A_130 = arith.mulf %add3A_56, %mul3A_129 : vector<1000x32xf32>
    %slice3A_131 = vector.extract_strided_slice %get3A_4 {offsets = [0, 4], sizes = [1000, 1], strides = [1, 1]} : vector<1000x16xf32> to vector<1000x1xf32>
    %mul3A_132 = vector.broadcast %slice3A_131 : vector<1000x1xf32> to vector<1000x32xf32>
    %mul3A_133 = arith.mulf %add3A_83, %mul3A_132 : vector<1000x32xf32>
    %add3A_134 = arith.addf %mul3A_130, %mul3A_133 : vector<1000x32xf32>
    %slice3A_135 = vector.extract_strided_slice %get3A_4 {offsets = [0, 5], sizes = [1000, 1], strides = [1, 1]} : vector<1000x16xf32> to vector<1000x1xf32>
    %mul3A_136 = vector.broadcast %slice3A_135 : vector<1000x1xf32> to vector<1000x32xf32>
    %mul3A_137 = arith.mulf %add3A_110, %mul3A_136 : vector<1000x32xf32>
    %add3A_138 = arith.addf %add3A_134, %mul3A_137 : vector<1000x32xf32>
    %slice3A_139 = vector.extract_strided_slice %get3A_4 {offsets = [0, 6], sizes = [1000, 1], strides = [1, 1]} : vector<1000x16xf32> to vector<1000x1xf32>
    %mul3A_140 = vector.broadcast %slice3A_139 : vector<1000x1xf32> to vector<1000x32xf32>
    %mul3A_141 = arith.mulf %add3A_56, %mul3A_140 : vector<1000x32xf32>
    %slice3A_142 = vector.extract_strided_slice %get3A_4 {offsets = [0, 7], sizes = [1000, 1], strides = [1, 1]} : vector<1000x16xf32> to vector<1000x1xf32>
    %mul3A_143 = vector.broadcast %slice3A_142 : vector<1000x1xf32> to vector<1000x32xf32>
    %mul3A_144 = arith.mulf %add3A_83, %mul3A_143 : vector<1000x32xf32>
    %add3A_145 = arith.addf %mul3A_141, %mul3A_144 : vector<1000x32xf32>
    %slice3A_146 = vector.extract_strided_slice %get3A_4 {offsets = [0, 8], sizes = [1000, 1], strides = [1, 1]} : vector<1000x16xf32> to vector<1000x1xf32>
    %mul3A_147 = vector.broadcast %slice3A_146 : vector<1000x1xf32> to vector<1000x32xf32>
    %mul3A_148 = arith.mulf %add3A_110, %mul3A_147 : vector<1000x32xf32>
    %add3A_149 = arith.addf %add3A_145, %mul3A_148 : vector<1000x32xf32>
    %concatenate3A = tpu.concatenate %sqrt3A, %add3A_127, %add3A_138, %add3A_149 in 1 : vector<1000x32xf32>, vector<1000x32xf32>, vector<1000x32xf32>, vector<1000x32xf32> -> vector<1000x128xf32>
    %get3A_150 = arith.constant 0 : index
    %get3A_151 = arith.constant 0 : index
    %get3A_152 = vector.load %arg7[%get3A_150, %get3A_151] : memref<128x512xf32, #tpu.memory_space<vmem>>, vector<128x512xf32>
    %dot_general3A_153 = arith.constant dense<0.000000e+00> : vector<1000x512xf32>
    %dot_general3A_154 = tpu.matmul %concatenate3A, %get3A_152, %dot_general3A_153 {dimension_numbers = #tpu.dot_dimension_numbers<[1], [0], [0], [1], [0, 0, 1, 1], [], []>, transpose_lhs_hint = false} : vector<1000x128xf32>, vector<128x512xf32>, vector<1000x512xf32> -> vector<1000x512xf32>
    %add3A_155 = arith.addf %add3A_29, %dot_general3A_154 : vector<1000x512xf32>
    %get3A_156 = arith.constant 0 : index
    %get3A_157 = arith.constant 0 : index
    %get3A_158 = vector.load %arg12[%get3A_156, %get3A_157] : memref<512x32xf32, #tpu.memory_space<vmem>>, vector<512x32xf32>
    %dot_general3A_159 = arith.constant dense<0.000000e+00> : vector<1000x32xf32>
    %dot_general3A_160 = tpu.matmul %add3A_155, %get3A_158, %dot_general3A_159 {dimension_numbers = #tpu.dot_dimension_numbers<[1], [0], [0], [1], [0, 0, 1, 1], [], []>, transpose_lhs_hint = false} : vector<1000x512xf32>, vector<512x32xf32>, vector<1000x32xf32> -> vector<1000x32xf32>
    %get3A_161 = arith.constant 0 : index
    %get3A_162 = arith.constant 0 : index
    %get3A_163 = vector.load %arg13[%get3A_161, %get3A_162] : memref<1x32xf32, #tpu.memory_space<vmem>>, vector<1x32xf32>
    %add3A_164 = vector.broadcast %get3A_163 : vector<1x32xf32> to vector<1000x32xf32>
    %add3A_165 = arith.addf %dot_general3A_160, %add3A_164 : vector<1000x32xf32>
    %logistic3A = arith.negf %add3A_165 : vector<1000x32xf32>
    %logistic3A_166 = math.exp %logistic3A : vector<1000x32xf32>
    %logistic3A_167 = arith.constant 1.000000e+00 : f32
    %logistic3A_168 = vector.broadcast %logistic3A_167 : f32 to vector<1000x32xf32>
    %logistic3A_169 = arith.addf %logistic3A_168, %logistic3A_166 : vector<1000x32xf32>
    %logistic3A_170 = arith.divf %logistic3A_168, %logistic3A_169 : vector<1000x32xf32>
    %get3A_171 = arith.constant 0 : index
    %get3A_172 = arith.constant 0 : index
    %get3A_173 = vector.load %arg11[%get3A_171, %get3A_172] : memref<32x32xf32, #tpu.memory_space<vmem>>, vector<32x32xf32>
    %dot_general3A_174 = arith.constant dense<0.000000e+00> : vector<1000x32xf32>
    %dot_general3A_175 = tpu.matmul %add3A_56, %get3A_173, %dot_general3A_174 {dimension_numbers = #tpu.dot_dimension_numbers<[1], [0], [0], [1], [0, 0, 1, 1], [], []>, transpose_lhs_hint = false} : vector<1000x32xf32>, vector<32x32xf32>, vector<1000x32xf32> -> vector<1000x32xf32>
    %mul3A_176 = arith.mulf %dot_general3A_175, %logistic3A_170 : vector<1000x32xf32>
    %get3A_177 = arith.constant 0 : index
    %get3A_178 = arith.constant 0 : index
    %get3A_179 = vector.load %arg11[%get3A_177, %get3A_178] : memref<32x32xf32, #tpu.memory_space<vmem>>, vector<32x32xf32>
    %dot_general3A_180 = arith.constant dense<0.000000e+00> : vector<1000x32xf32>
    %dot_general3A_181 = tpu.matmul %add3A_83, %get3A_179, %dot_general3A_180 {dimension_numbers = #tpu.dot_dimension_numbers<[1], [0], [0], [1], [0, 0, 1, 1], [], []>, transpose_lhs_hint = false} : vector<1000x32xf32>, vector<32x32xf32>, vector<1000x32xf32> -> vector<1000x32xf32>
    %mul3A_182 = arith.mulf %dot_general3A_181, %logistic3A_170 : vector<1000x32xf32>
    %get3A_183 = arith.constant 0 : index
    %get3A_184 = arith.constant 0 : index
    %get3A_185 = vector.load %arg11[%get3A_183, %get3A_184] : memref<32x32xf32, #tpu.memory_space<vmem>>, vector<32x32xf32>
    %dot_general3A_186 = arith.constant dense<0.000000e+00> : vector<1000x32xf32>
    %dot_general3A_187 = tpu.matmul %add3A_110, %get3A_185, %dot_general3A_186 {dimension_numbers = #tpu.dot_dimension_numbers<[1], [0], [0], [1], [0, 0, 1, 1], [], []>, transpose_lhs_hint = false} : vector<1000x32xf32>, vector<32x32xf32>, vector<1000x32xf32> -> vector<1000x32xf32>
    %mul3A_188 = arith.mulf %dot_general3A_187, %logistic3A_170 : vector<1000x32xf32>
    %logistic3A_189 = arith.negf %add3A_155 : vector<1000x512xf32>
    %logistic3A_190 = math.exp %logistic3A_189 : vector<1000x512xf32>
    %logistic3A_191 = arith.constant 1.000000e+00 : f32
    %logistic3A_192 = vector.broadcast %logistic3A_191 : f32 to vector<1000x512xf32>
    %logistic3A_193 = arith.addf %logistic3A_192, %logistic3A_190 : vector<1000x512xf32>
    %logistic3A_194 = arith.divf %logistic3A_192, %logistic3A_193 : vector<1000x512xf32>
    %mul3A_195 = arith.mulf %add3A_155, %logistic3A_194 : vector<1000x512xf32>
    %get3A_196 = arith.constant 0 : index
    %get3A_197 = arith.constant 0 : index
    %get3A_198 = vector.load %arg17[%get3A_196, %get3A_197] : memref<32x16xf32, #tpu.memory_space<vmem>>, vector<32x16xf32>
    %dot_general3A_199 = arith.constant dense<0.000000e+00> : vector<1000x16xf32>
    %dot_general3A_200 = tpu.matmul %mul3A_176, %get3A_198, %dot_general3A_199 {dimension_numbers = #tpu.dot_dimension_numbers<[1], [0], [0], [1], [0, 0, 1, 1], [], []>, transpose_lhs_hint = false} : vector<1000x32xf32>, vector<32x16xf32>, vector<1000x16xf32> -> vector<1000x16xf32>
    %get3A_201 = arith.constant 0 : index
    %get3A_202 = arith.constant 0 : index
    %get3A_203 = vector.load %arg17[%get3A_201, %get3A_202] : memref<32x16xf32, #tpu.memory_space<vmem>>, vector<32x16xf32>
    %dot_general3A_204 = arith.constant dense<0.000000e+00> : vector<1000x16xf32>
    %dot_general3A_205 = tpu.matmul %mul3A_182, %get3A_203, %dot_general3A_204 {dimension_numbers = #tpu.dot_dimension_numbers<[1], [0], [0], [1], [0, 0, 1, 1], [], []>, transpose_lhs_hint = false} : vector<1000x32xf32>, vector<32x16xf32>, vector<1000x16xf32> -> vector<1000x16xf32>
    %get3A_206 = arith.constant 0 : index
    %get3A_207 = arith.constant 0 : index
    %get3A_208 = vector.load %arg17[%get3A_206, %get3A_207] : memref<32x16xf32, #tpu.memory_space<vmem>>, vector<32x16xf32>
    %dot_general3A_209 = arith.constant dense<0.000000e+00> : vector<1000x16xf32>
    %dot_general3A_210 = tpu.matmul %mul3A_188, %get3A_208, %dot_general3A_209 {dimension_numbers = #tpu.dot_dimension_numbers<[1], [0], [0], [1], [0, 0, 1, 1], [], []>, transpose_lhs_hint = false} : vector<1000x32xf32>, vector<32x16xf32>, vector<1000x16xf32> -> vector<1000x16xf32>
    %mul3A_211 = arith.mulf %dot_general3A_200, %dot_general3A_200 : vector<1000x16xf32>
    %mul3A_212 = arith.mulf %dot_general3A_205, %dot_general3A_205 : vector<1000x16xf32>
    %add3A_213 = arith.addf %mul3A_211, %mul3A_212 : vector<1000x16xf32>
    %mul3A_214 = arith.mulf %dot_general3A_210, %dot_general3A_210 : vector<1000x16xf32>
    %add3A_215 = arith.addf %add3A_213, %mul3A_214 : vector<1000x16xf32>
    %add3A_216 = arith.constant 9.99999993E-9 : f32
    %add3A_217 = vector.broadcast %add3A_216 : f32 to vector<1000x16xf32>
    %add3A_218 = arith.addf %add3A_215, %add3A_217 : vector<1000x16xf32>
    %sqrt3A_219 = math.sqrt %add3A_218 : vector<1000x16xf32>
    %slice3A_220 = vector.extract_strided_slice %get3A_4 {offsets = [0, 0], sizes = [1000, 1], strides = [1, 1]} : vector<1000x16xf32> to vector<1000x1xf32>
    %mul3A_221 = vector.broadcast %slice3A_220 : vector<1000x1xf32> to vector<1000x16xf32>
    %mul3A_222 = arith.mulf %dot_general3A_200, %mul3A_221 : vector<1000x16xf32>
    %slice3A_223 = vector.extract_strided_slice %get3A_4 {offsets = [0, 1], sizes = [1000, 1], strides = [1, 1]} : vector<1000x16xf32> to vector<1000x1xf32>
    %mul3A_224 = vector.broadcast %slice3A_223 : vector<1000x1xf32> to vector<1000x16xf32>
    %mul3A_225 = arith.mulf %dot_general3A_205, %mul3A_224 : vector<1000x16xf32>
    %add3A_226 = arith.addf %mul3A_222, %mul3A_225 : vector<1000x16xf32>
    %slice3A_227 = vector.extract_strided_slice %get3A_4 {offsets = [0, 2], sizes = [1000, 1], strides = [1, 1]} : vector<1000x16xf32> to vector<1000x1xf32>
    %mul3A_228 = vector.broadcast %slice3A_227 : vector<1000x1xf32> to vector<1000x16xf32>
    %mul3A_229 = arith.mulf %dot_general3A_210, %mul3A_228 : vector<1000x16xf32>
    %add3A_230 = arith.addf %add3A_226, %mul3A_229 : vector<1000x16xf32>
    %slice3A_231 = vector.extract_strided_slice %get3A_4 {offsets = [0, 3], sizes = [1000, 1], strides = [1, 1]} : vector<1000x16xf32> to vector<1000x1xf32>
    %mul3A_232 = vector.broadcast %slice3A_231 : vector<1000x1xf32> to vector<1000x16xf32>
    %mul3A_233 = arith.mulf %dot_general3A_200, %mul3A_232 : vector<1000x16xf32>
    %slice3A_234 = vector.extract_strided_slice %get3A_4 {offsets = [0, 4], sizes = [1000, 1], strides = [1, 1]} : vector<1000x16xf32> to vector<1000x1xf32>
    %mul3A_235 = vector.broadcast %slice3A_234 : vector<1000x1xf32> to vector<1000x16xf32>
    %mul3A_236 = arith.mulf %dot_general3A_205, %mul3A_235 : vector<1000x16xf32>
    %add3A_237 = arith.addf %mul3A_233, %mul3A_236 : vector<1000x16xf32>
    %slice3A_238 = vector.extract_strided_slice %get3A_4 {offsets = [0, 5], sizes = [1000, 1], strides = [1, 1]} : vector<1000x16xf32> to vector<1000x1xf32>
    %mul3A_239 = vector.broadcast %slice3A_238 : vector<1000x1xf32> to vector<1000x16xf32>
    %mul3A_240 = arith.mulf %dot_general3A_210, %mul3A_239 : vector<1000x16xf32>
    %add3A_241 = arith.addf %add3A_237, %mul3A_240 : vector<1000x16xf32>
    %slice3A_242 = vector.extract_strided_slice %get3A_4 {offsets = [0, 6], sizes = [1000, 1], strides = [1, 1]} : vector<1000x16xf32> to vector<1000x1xf32>
    %mul3A_243 = vector.broadcast %slice3A_242 : vector<1000x1xf32> to vector<1000x16xf32>
    %mul3A_244 = arith.mulf %dot_general3A_200, %mul3A_243 : vector<1000x16xf32>
    %slice3A_245 = vector.extract_strided_slice %get3A_4 {offsets = [0, 7], sizes = [1000, 1], strides = [1, 1]} : vector<1000x16xf32> to vector<1000x1xf32>
    %mul3A_246 = vector.broadcast %slice3A_245 : vector<1000x1xf32> to vector<1000x16xf32>
    %mul3A_247 = arith.mulf %dot_general3A_205, %mul3A_246 : vector<1000x16xf32>
    %add3A_248 = arith.addf %mul3A_244, %mul3A_247 : vector<1000x16xf32>
    %slice3A_249 = vector.extract_strided_slice %get3A_4 {offsets = [0, 8], sizes = [1000, 1], strides = [1, 1]} : vector<1000x16xf32> to vector<1000x1xf32>
    %mul3A_250 = vector.broadcast %slice3A_249 : vector<1000x1xf32> to vector<1000x16xf32>
    %mul3A_251 = arith.mulf %dot_general3A_210, %mul3A_250 : vector<1000x16xf32>
    %add3A_252 = arith.addf %add3A_248, %mul3A_251 : vector<1000x16xf32>
    %concatenate3A_253 = tpu.concatenate %sqrt3A_219, %add3A_230, %add3A_241, %add3A_252 in 1 : vector<1000x16xf32>, vector<1000x16xf32>, vector<1000x16xf32>, vector<1000x16xf32> -> vector<1000x64xf32>
    %get3A_254 = arith.constant 0 : index
    %get3A_255 = arith.constant 0 : index
    %get3A_256 = vector.load %arg14[%get3A_254, %get3A_255] : memref<512x128xf32, #tpu.memory_space<vmem>>, vector<512x128xf32>
    %dot_general3A_257 = arith.constant dense<0.000000e+00> : vector<1000x128xf32>
    %dot_general3A_258 = tpu.matmul %mul3A_195, %get3A_256, %dot_general3A_257 {dimension_numbers = #tpu.dot_dimension_numbers<[1], [0], [0], [1], [0, 0, 1, 1], [], []>, transpose_lhs_hint = false} : vector<1000x512xf32>, vector<512x128xf32>, vector<1000x128xf32> -> vector<1000x128xf32>
    %get3A_259 = arith.constant 0 : index
    %get3A_260 = arith.constant 0 : index
    %get3A_261 = vector.load %arg15[%get3A_259, %get3A_260] : memref<64x128xf32, #tpu.memory_space<vmem>>, vector<64x128xf32>
    %dot_general3A_262 = arith.constant dense<0.000000e+00> : vector<1000x128xf32>
    %dot_general3A_263 = tpu.matmul %concatenate3A_253, %get3A_261, %dot_general3A_262 {dimension_numbers = #tpu.dot_dimension_numbers<[1], [0], [0], [1], [0, 0, 1, 1], [], []>, transpose_lhs_hint = false} : vector<1000x64xf32>, vector<64x128xf32>, vector<1000x128xf32> -> vector<1000x128xf32>
    %add3A_264 = arith.addf %dot_general3A_258, %dot_general3A_263 : vector<1000x128xf32>
    %get3A_265 = arith.constant 0 : index
    %get3A_266 = arith.constant 0 : index
    %get3A_267 = vector.load %arg16[%get3A_265, %get3A_266] : memref<1x128xf32, #tpu.memory_space<vmem>>, vector<1x128xf32>
    %add3A_268 = vector.broadcast %get3A_267 : vector<1x128xf32> to vector<1000x128xf32>
    %add3A_269 = arith.addf %add3A_264, %add3A_268 : vector<1000x128xf32>
    %get3A_270 = arith.constant 0 : index
    %get3A_271 = arith.constant 0 : index
    %get3A_272 = vector.load %arg19[%get3A_270, %get3A_271] : memref<128x16xf32, #tpu.memory_space<vmem>>, vector<128x16xf32>
    %dot_general3A_273 = arith.constant dense<0.000000e+00> : vector<1000x16xf32>
    %dot_general3A_274 = tpu.matmul %add3A_269, %get3A_272, %dot_general3A_273 {dimension_numbers = #tpu.dot_dimension_numbers<[1], [0], [0], [1], [0, 0, 1, 1], [], []>, transpose_lhs_hint = false} : vector<1000x128xf32>, vector<128x16xf32>, vector<1000x16xf32> -> vector<1000x16xf32>
    %get3A_275 = arith.constant 0 : index
    %get3A_276 = arith.constant 0 : index
    %get3A_277 = vector.load %arg20[%get3A_275, %get3A_276] : memref<1x16xf32, #tpu.memory_space<vmem>>, vector<1x16xf32>
    %add3A_278 = vector.broadcast %get3A_277 : vector<1x16xf32> to vector<1000x16xf32>
    %add3A_279 = arith.addf %dot_general3A_274, %add3A_278 : vector<1000x16xf32>
    %logistic3A_280 = arith.negf %add3A_279 : vector<1000x16xf32>
    %logistic3A_281 = math.exp %logistic3A_280 : vector<1000x16xf32>
    %logistic3A_282 = arith.constant 1.000000e+00 : f32
    %logistic3A_283 = vector.broadcast %logistic3A_282 : f32 to vector<1000x16xf32>
    %logistic3A_284 = arith.addf %logistic3A_283, %logistic3A_281 : vector<1000x16xf32>
    %logistic3A_285 = arith.divf %logistic3A_283, %logistic3A_284 : vector<1000x16xf32>
    %get3A_286 = arith.constant 0 : index
    %get3A_287 = arith.constant 0 : index
    %get3A_288 = vector.load %arg18[%get3A_286, %get3A_287] : memref<16x16xf32, #tpu.memory_space<vmem>>, vector<16x16xf32>
    %dot_general3A_289 = arith.constant dense<0.000000e+00> : vector<1000x16xf32>
    %dot_general3A_290 = tpu.matmul %dot_general3A_200, %get3A_288, %dot_general3A_289 {dimension_numbers = #tpu.dot_dimension_numbers<[1], [0], [0], [1], [0, 0, 1, 1], [], []>, transpose_lhs_hint = false} : vector<1000x16xf32>, vector<16x16xf32>, vector<1000x16xf32> -> vector<1000x16xf32>
    %mul3A_291 = arith.mulf %dot_general3A_290, %logistic3A_285 : vector<1000x16xf32>
    %get3A_292 = arith.constant 0 : index
    %get3A_293 = arith.constant 0 : index
    %get3A_294 = vector.load %arg18[%get3A_292, %get3A_293] : memref<16x16xf32, #tpu.memory_space<vmem>>, vector<16x16xf32>
    %dot_general3A_295 = arith.constant dense<0.000000e+00> : vector<1000x16xf32>
    %dot_general3A_296 = tpu.matmul %dot_general3A_205, %get3A_294, %dot_general3A_295 {dimension_numbers = #tpu.dot_dimension_numbers<[1], [0], [0], [1], [0, 0, 1, 1], [], []>, transpose_lhs_hint = false} : vector<1000x16xf32>, vector<16x16xf32>, vector<1000x16xf32> -> vector<1000x16xf32>
    %mul3A_297 = arith.mulf %dot_general3A_296, %logistic3A_285 : vector<1000x16xf32>
    %get3A_298 = arith.constant 0 : index
    %get3A_299 = arith.constant 0 : index
    %get3A_300 = vector.load %arg18[%get3A_298, %get3A_299] : memref<16x16xf32, #tpu.memory_space<vmem>>, vector<16x16xf32>
    %dot_general3A_301 = arith.constant dense<0.000000e+00> : vector<1000x16xf32>
    %dot_general3A_302 = tpu.matmul %dot_general3A_210, %get3A_300, %dot_general3A_301 {dimension_numbers = #tpu.dot_dimension_numbers<[1], [0], [0], [1], [0, 0, 1, 1], [], []>, transpose_lhs_hint = false} : vector<1000x16xf32>, vector<16x16xf32>, vector<1000x16xf32> -> vector<1000x16xf32>
    %mul3A_303 = arith.mulf %dot_general3A_302, %logistic3A_285 : vector<1000x16xf32>
    %add3A_304 = arith.addf %get3A_1, %add3A_269 : vector<1000x128xf32>
    %reduce_sum3A = arith.constant dense<0.000000e+00> : vector<1000xf32>
    %reduce_sum3A_305 = vector.multi_reduction <add>, %add3A_304, %reduce_sum3A [1] : vector<1000x128xf32> to vector<1000xf32>
    %broadcast_in_dim3A = vector.shape_cast %reduce_sum3A_305 : vector<1000xf32> to vector<1000x1xf32>
    %div3A = arith.constant 1.280000e+02 : f32
    %div3A_306 = vector.broadcast %div3A : f32 to vector<1000x1xf32>
    %div3A_307 = arith.divf %broadcast_in_dim3A, %div3A_306 : vector<1000x1xf32>
    %sub3A = vector.broadcast %div3A_307 : vector<1000x1xf32> to vector<1000x128xf32>
    %sub3A_308 = arith.subf %add3A_304, %sub3A : vector<1000x128xf32>
    %mul3A_309 = arith.mulf %sub3A_308, %sub3A_308 : vector<1000x128xf32>
    %reduce_sum3A_310 = arith.constant dense<0.000000e+00> : vector<1000xf32>
    %reduce_sum3A_311 = vector.multi_reduction <add>, %mul3A_309, %reduce_sum3A_310 [1] : vector<1000x128xf32> to vector<1000xf32>
    %broadcast_in_dim3A_312 = vector.shape_cast %reduce_sum3A_311 : vector<1000xf32> to vector<1000x1xf32>
    %div3A_313 = arith.constant 1.280000e+02 : f32
    %div3A_314 = vector.broadcast %div3A_313 : f32 to vector<1000x1xf32>
    %div3A_315 = arith.divf %broadcast_in_dim3A_312, %div3A_314 : vector<1000x1xf32>
    %get3A_316 = arith.constant 0 : index
    %get3A_317 = arith.constant 0 : index
    %get3A_318 = vector.load %arg21[%get3A_316, %get3A_317] : memref<1x128xf32, #tpu.memory_space<vmem>>, vector<1x128xf32>
    %mul3A_319 = vector.broadcast %get3A_318 : vector<1x128xf32> to vector<1000x128xf32>
    %mul3A_320 = arith.mulf %mul3A_319, %sub3A_308 : vector<1000x128xf32>
    %add3A_321 = arith.constant 9.99999974E-6 : f32
    %add3A_322 = vector.broadcast %add3A_321 : f32 to vector<1000x1xf32>
    %add3A_323 = arith.addf %div3A_315, %add3A_322 : vector<1000x1xf32>
    %sqrt3A_324 = math.sqrt %add3A_323 : vector<1000x1xf32>
    %div3A_325 = vector.broadcast %sqrt3A_324 : vector<1000x1xf32> to vector<1000x128xf32>
    %div3A_326 = arith.divf %mul3A_320, %div3A_325 : vector<1000x128xf32>
    %get3A_327 = arith.constant 0 : index
    %get3A_328 = arith.constant 0 : index
    %get3A_329 = vector.load %arg22[%get3A_327, %get3A_328] : memref<1x128xf32, #tpu.memory_space<vmem>>, vector<1x128xf32>
    %add3A_330 = vector.broadcast %get3A_329 : vector<1x128xf32> to vector<1000x128xf32>
    %add3A_331 = arith.addf %div3A_326, %add3A_330 : vector<1000x128xf32>
    %swap3A = arith.constant 0 : index
    %swap3A_332 = arith.constant 0 : index
    %swap3A_333 = vector.load %arg23[%swap3A, %swap3A_332] : memref<1000x128xf32, #tpu.memory_space<vmem>>, vector<1000x128xf32>
    tpu.vector_store %arg23[%swap3A, %swap3A_332], %add3A_331 {strides = array<i32>} : memref<1000x128xf32, #tpu.memory_space<vmem>>, vector<1000x128xf32>,
    %get3A_334 = arith.constant 0 : index
    %get3A_335 = arith.constant 0 : index
    %get3A_336 = arith.constant 0 : index
    %get3A_337 = vector.load %arg3[%get3A_334, %get3A_335, %get3A_336] : memref<3x1000x16xf32, #tpu.memory_space<vmem>>, vector<1x1000x16xf32>
    %get3A_338 = vector.shape_cast %get3A_337 : vector<1x1000x16xf32> to vector<1000x16xf32>
    %add3A_339 = arith.addf %get3A_338, %mul3A_291 : vector<1000x16xf32>
    %get3A_340 = arith.constant 1 : index
    %get3A_341 = arith.constant 0 : index
    %get3A_342 = arith.constant 0 : index
    %get3A_343 = vector.load %arg3[%get3A_340, %get3A_341, %get3A_342] : memref<3x1000x16xf32, #tpu.memory_space<vmem>>, vector<1x1000x16xf32>
    %get3A_344 = vector.shape_cast %get3A_343 : vector<1x1000x16xf32> to vector<1000x16xf32>
    %add3A_345 = arith.addf %get3A_344, %mul3A_297 : vector<1000x16xf32>
    %get3A_346 = arith.constant 2 : index
    %get3A_347 = arith.constant 0 : index
    %get3A_348 = arith.constant 0 : index
    %get3A_349 = vector.load %arg3[%get3A_346, %get3A_347, %get3A_348] : memref<3x1000x16xf32, #tpu.memory_space<vmem>>, vector<1x1000x16xf32>
    %get3A_350 = vector.shape_cast %get3A_349 : vector<1x1000x16xf32> to vector<1000x16xf32>
    %add3A_351 = arith.addf %get3A_350, %mul3A_303 : vector<1000x16xf32>
    %mul3A_352 = arith.mulf %add3A_339, %add3A_339 : vector<1000x16xf32>
    %mul3A_353 = arith.mulf %add3A_345, %add3A_345 : vector<1000x16xf32>
    %add3A_354 = arith.addf %mul3A_352, %mul3A_353 : vector<1000x16xf32>
    %mul3A_355 = arith.mulf %add3A_351, %add3A_351 : vector<1000x16xf32>
    %add3A_356 = arith.addf %add3A_354, %mul3A_355 : vector<1000x16xf32>
    %reduce_sum3A_357 = arith.constant dense<0.000000e+00> : vector<1000xf32>
    %reduce_sum3A_358 = vector.multi_reduction <add>, %add3A_356, %reduce_sum3A_357 [1] : vector<1000x16xf32> to vector<1000xf32>
    %broadcast_in_dim3A_359 = vector.shape_cast %reduce_sum3A_358 : vector<1000xf32> to vector<1000x1xf32>
    %div3A_360 = arith.constant 1.600000e+01 : f32
    %div3A_361 = vector.broadcast %div3A_360 : f32 to vector<1000x1xf32>
    %div3A_362 = arith.divf %broadcast_in_dim3A_359, %div3A_361 : vector<1000x1xf32>
    %add3A_363 = arith.constant 9.99999993E-9 : f32
    %add3A_364 = vector.broadcast %add3A_363 : f32 to vector<1000x1xf32>
    %add3A_365 = arith.addf %div3A_362, %add3A_364 : vector<1000x1xf32>
    %sqrt3A_366 = math.sqrt %add3A_365 : vector<1000x1xf32>
    %div3A_367 = vector.broadcast %sqrt3A_366 : vector<1000x1xf32> to vector<1000x16xf32>
    %div3A_368 = arith.divf %add3A_339, %div3A_367 : vector<1000x16xf32>
    %swap3A_369 = arith.constant 0 : index
    %swap3A_370 = arith.constant 0 : index
    %swap3A_371 = arith.constant 0 : index
    %swap3A_372 = vector.load %arg24[%swap3A_369, %swap3A_370, %swap3A_371] : memref<3x1000x16xf32, #tpu.memory_space<vmem>>, vector<1x1000x16xf32>
    %swap3A_373 = vector.shape_cast %swap3A_372 : vector<1x1000x16xf32> to vector<1000x16xf32>
    %swap3A_374 = vector.shape_cast %div3A_368 : vector<1000x16xf32> to vector<1x1000x16xf32>
    tpu.vector_store %arg24[%swap3A_369, %swap3A_370, %swap3A_371], %swap3A_374 {strides = array<i32>} : memref<3x1000x16xf32, #tpu.memory_space<vmem>>, vector<1x1000x16xf32>,
    %div3A_375 = vector.broadcast %sqrt3A_366 : vector<1000x1xf32> to vector<1000x16xf32>
    %div3A_376 = arith.divf %add3A_345, %div3A_375 : vector<1000x16xf32>
    %swap3A_377 = arith.constant 1 : index
    %swap3A_378 = arith.constant 0 : index
    %swap3A_379 = arith.constant 0 : index
    %swap3A_380 = vector.load %arg24[%swap3A_377, %swap3A_378, %swap3A_379] : memref<3x1000x16xf32, #tpu.memory_space<vmem>>, vector<1x1000x16xf32>
    %swap3A_381 = vector.shape_cast %swap3A_380 : vector<1x1000x16xf32> to vector<1000x16xf32>
    %swap3A_382 = vector.shape_cast %div3A_376 : vector<1000x16xf32> to vector<1x1000x16xf32>
    tpu.vector_store %arg24[%swap3A_377, %swap3A_378, %swap3A_379], %swap3A_382 {strides = array<i32>} : memref<3x1000x16xf32, #tpu.memory_space<vmem>>, vector<1x1000x16xf32>,
    %div3A_383 = vector.broadcast %sqrt3A_366 : vector<1000x1xf32> to vector<1000x16xf32>
    %div3A_384 = arith.divf %add3A_351, %div3A_383 : vector<1000x16xf32>
    %swap3A_385 = arith.constant 2 : index
    %swap3A_386 = arith.constant 0 : index
    %swap3A_387 = arith.constant 0 : index
    %swap3A_388 = vector.load %arg24[%swap3A_385, %swap3A_386, %swap3A_387] : memref<3x1000x16xf32, #tpu.memory_space<vmem>>, vector<1x1000x16xf32>
    %swap3A_389 = vector.shape_cast %swap3A_388 : vector<1x1000x16xf32> to vector<1000x16xf32>
    %swap3A_390 = vector.shape_cast %div3A_384 : vector<1000x16xf32> to vector<1x1000x16xf32>
    tpu.vector_store %arg24[%swap3A_385, %swap3A_386, %swap3A_387], %swap3A_390 {strides = array<i32>} : memref<3x1000x16xf32, #tpu.memory_space<vmem>>, vector<1x1000x16xf32>,
    return
  }
  func.func @transform_0(%arg0: i32) -> (i32, i32, i32) {
    %c0_i32 = arith.constant 0 : i32
    %c0_i32_0 = arith.constant 0 : i32
    %c0_i32_1 = arith.constant 0 : i32
    return %c0_i32, %arg0, %c0_i32_0 : i32, i32, i32
  }
  func.func @transform_1(%arg0: i32) -> (i32, i32) {
    %c0_i32 = arith.constant 0 : i32
    %c0_i32_0 = arith.constant 0 : i32
    return %arg0, %c0_i32 : i32, i32
  }
  func.func @transform_2(%arg0: i32) -> (i32, i32, i32) {
    %c0_i32 = arith.constant 0 : i32
    %c0_i32_0 = arith.constant 0 : i32
    %c0_i32_1 = arith.constant 0 : i32
    return %c0_i32, %arg0, %c0_i32_0 : i32, i32, i32
  }
  func.func @transform_3(%arg0: i32) -> (i32, i32) {
    %c0_i32 = arith.constant 0 : i32
    %c0_i32_0 = arith.constant 0 : i32
    return %arg0, %c0_i32 : i32, i32
  }
  func.func @transform_4(%arg0: i32) -> (i32, i32) {
    %c0_i32 = arith.constant 0 : i32
    %c0_i32_0 = arith.constant 0 : i32
    %c0_i32_1 = arith.constant 0 : i32
    return %c0_i32, %c0_i32_0 : i32, i32
  }
  func.func @transform_5(%arg0: i32) -> (i32, i32) {
    %c0_i32 = arith.constant 0 : i32
    %c0_i32_0 = arith.constant 0 : i32
    %c0_i32_1 = arith.constant 0 : i32
    return %c0_i32, %c0_i32_0 : i32, i32
  }
  func.func @transform_6(%arg0: i32) -> (i32, i32) {
    %c0_i32 = arith.constant 0 : i32
    %c0_i32_0 = arith.constant 0 : i32
    %c0_i32_1 = arith.constant 0 : i32
    return %c0_i32, %c0_i32_0 : i32, i32
  }
  func.func @transform_7(%arg0: i32) -> (i32, i32) {
    %c0_i32 = arith.constant 0 : i32
    %c0_i32_0 = arith.constant 0 : i32
    %c0_i32_1 = arith.constant 0 : i32
    return %c0_i32, %c0_i32_0 : i32, i32
  }
  func.func @transform_8(%arg0: i32) -> (i32, i32) {
    %c0_i32 = arith.constant 0 : i32
    %c0_i32_0 = arith.constant 0 : i32
    %c0_i32_1 = arith.constant 0 : i32
    return %c0_i32, %c0_i32_0 : i32, i32
  }
  func.func @transform_9(%arg0: i32) -> (i32, i32) {
    %c0_i32 = arith.constant 0 : i32
    %c0_i32_0 = arith.constant 0 : i32
    %c0_i32_1 = arith.constant 0 : i32
    return %c0_i32, %c0_i32_0 : i32, i32
  }
  func.func @transform_10(%arg0: i32) -> (i32, i32) {
    %c0_i32 = arith.constant 0 : i32
    %c0_i32_0 = arith.constant 0 : i32
    %c0_i32_1 = arith.constant 0 : i32
    return %c0_i32, %c0_i32_0 : i32, i32
  }
  func.func @transform_11(%arg0: i32) -> (i32, i32) {
    %c0_i32 = arith.constant 0 : i32
    %c0_i32_0 = arith.constant 0 : i32
    %c0_i32_1 = arith.constant 0 : i32
    return %c0_i32, %c0_i32_0 : i32, i32
  }
  func.func @transform_12(%arg0: i32) -> (i32, i32) {
    %c0_i32 = arith.constant 0 : i32
    %c0_i32_0 = arith.constant 0 : i32
    %c0_i32_1 = arith.constant 0 : i32
    return %c0_i32, %c0_i32_0 : i32, i32
  }
  func.func @transform_13(%arg0: i32) -> (i32, i32) {
    %c0_i32 = arith.constant 0 : i32
    %c0_i32_0 = arith.constant 0 : i32
    %c0_i32_1 = arith.constant 0 : i32
    return %c0_i32, %c0_i32_0 : i32, i32
  }
  func.func @transform_14(%arg0: i32) -> (i32, i32) {
    %c0_i32 = arith.constant 0 : i32
    %c0_i32_0 = arith.constant 0 : i32
    %c0_i32_1 = arith.constant 0 : i32
    return %c0_i32, %c0_i32_0 : i32, i32
  }
  func.func @transform_15(%arg0: i32) -> (i32, i32) {
    %c0_i32 = arith.constant 0 : i32
    %c0_i32_0 = arith.constant 0 : i32
    %c0_i32_1 = arith.constant 0 : i32
    return %c0_i32, %c0_i32_0 : i32, i32
  }
  func.func @transform_16(%arg0: i32) -> (i32, i32) {
    %c0_i32 = arith.constant 0 : i32
    %c0_i32_0 = arith.constant 0 : i32
    %c0_i32_1 = arith.constant 0 : i32
    return %c0_i32, %c0_i32_0 : i32, i32
  }
  func.func @transform_17(%arg0: i32) -> (i32, i32) {
    %c0_i32 = arith.constant 0 : i32
    %c0_i32_0 = arith.constant 0 : i32
    %c0_i32_1 = arith.constant 0 : i32
    return %c0_i32, %c0_i32_0 : i32, i32
  }
  func.func @transform_18(%arg0: i32) -> (i32, i32) {
    %c0_i32 = arith.constant 0 : i32
    %c0_i32_0 = arith.constant 0 : i32
    %c0_i32_1 = arith.constant 0 : i32
    return %c0_i32, %c0_i32_0 : i32, i32
  }
  func.func @transform_19(%arg0: i32) -> (i32, i32) {
    %c0_i32 = arith.constant 0 : i32
    %c0_i32_0 = arith.constant 0 : i32
    %c0_i32_1 = arith.constant 0 : i32
    return %c0_i32, %c0_i32_0 : i32, i32
  }
  func.func @transform_20(%arg0: i32) -> (i32, i32) {
    %c0_i32 = arith.constant 0 : i32
    %c0_i32_0 = arith.constant 0 : i32
    %c0_i32_1 = arith.constant 0 : i32
    return %c0_i32, %c0_i32_0 : i32, i32
  }
  func.func @transform_21(%arg0: i32) -> (i32, i32) {
    %c0_i32 = arith.constant 0 : i32
    %c0_i32_0 = arith.constant 0 : i32
    %c0_i32_1 = arith.constant 0 : i32
    return %c0_i32, %c0_i32_0 : i32, i32
  }
  func.func @transform_22(%arg0: i32) -> (i32, i32) {
    %c0_i32 = arith.constant 0 : i32
    %c0_i32_0 = arith.constant 0 : i32
    return %arg0, %c0_i32 : i32, i32
  }
  func.func @transform_23(%arg0: i32) -> (i32, i32, i32) {
    %c0_i32 = arith.constant 0 : i32
    %c0_i32_0 = arith.constant 0 : i32
    %c0_i32_1 = arith.constant 0 : i32
    return %c0_i32, %arg0, %c0_i32_0 : i32, i32, i32
  }
}

</mosaic_0001>

<sc_bundles>
// kernel: kernel.10.cloned.1.call-start
scs
__scs_entry_jumppad:
0x0: {  	(pc) =	sbr.rel $0x88, $3  }
0x1: {  	(tag) =	ssettag $0x0;
	lr =	simm.s32 $0x1  }
0x2: {  	[smem:$0x3F88] =	sst lr;
	_ =	strace $0xD0000000  }
0x3: {  	_ = 	snop  }
0x4: {  	_ = 	snop  }
0x5: {  	_ = 	snop  }
0x6: {  	_ = 	snop  }
0x7: {  	_ = 	snop  }
__scs_overlays_trampoline_lowered:
0x8: {  	[smem:$0x3F97] =	sst s0  }
0x9: {  	[smem:$0x3F98] =	sst s1  }
0xa: {  	[smem:$0x3F99] =	sst s2  }
0xb: {  	[smem:$0x3F9A] =	sst s3  }
0xc: {  	[smem:$0x3F9B] =	sst s4  }
0xd: {  	[smem:$0x3F9C] =	sst s5  }
0xe: {  	[smem:$0x3F9D] =	sst s6  }
0xf: {  	[smem:$0x3F9E] =	sst s7  }
0x10: {  	[smem:$0x3F9F] =	sst s8  }
0x11: {  	[smem:$0x3FA0] =	sst s9;
	s0 =	simm.s32 @!p0 $0x0  }
0x12: {  	s1 =	sld [smem:$0x3F86];
	s0 =	simm.s32 @p0 $0x1  }
0x13: {  	[smem:$0x3FA1] =	sst s0;
	s0 =	simm.s32 @!p1 $0x0  }
0x14: {  	s2 =	sld [smem:$0x3F85];
	s0 =	simm.s32 @p1 $0x1  }
0x15: {  	[smem:$0x3FA2] =	sst s0;
	s0 =	simm.s32 @!p2 $0x0  }
0x16: {  	s3 =	sld [smem:$0x3FDB];
	s0 =	simm.s32 @p2 $0x1  }
0x17: {  	s4 =	simm.s32 $0x1BF5;
	[smem:$0x3FA4] =	sst s0  }
0x18: {  	s0 =	sld [smem:$0x3F87];
	_ =	swait.ge [sflag:s4], $0x0  }
0x19: {  	s7 =	sld [smem:$0x3F88]  }
0x1a: {  	s8 =	sadd.s32 $0xFFFFE003, lr  }
0x1b: {  	s9 =	sadd.s32 $0xFFFFFEF7, lr;
	s5 =	simm.s32 $0xFFFFFFFF;
	p2 =	slt.u32 s8, $0xFFFFF086  }
0x1c: {  	p1 =	slt.u32 s9, $0xF7A;
	s5 =	simm.s32 @!p2 $0x0  }
0x1d: {  	s5 =	simm.s32 @p1 $0x1;
	p0 =	seq.s32 s7, s2  }
0x1e: {  	s7 =	smul.u32 @!p0 $0xF7A, s2;
	p2 =	seq.s32 @!p0 s5, $0x0  }
0x1f: {  	s9 =	smul.u32 $0xF7A, s1;
	s8 =	simm.s32 @!p0 $0x1BF5;
	p2 =	por !p2, p0  }
0x20: {  	[sflag:s8] =	ssyncset.s32 @!p0 $0xFFFFF086;
	s6 =	sadd.s32 @!p0 s3, s7;
	s7 =	simm.s32 @!p0 $0x108  }
0x21: {  	s3 =	sadd.s32 s3, s9;
	s6 =	sadd.s32 @!p0 $0x88, s6;
	s7 =	simm.s32 @p2 $0x1082  }
0x22: {  	[simem:s7], [sflag:s8] =	dma.local @!p0 [hbm:s6], $0xF7A  }
0x23: {  	s9 =	sor.u32 $0xD0000000, s2;
	s6 =	simm.s32 $0x108;
	_ =	swait.ge @!p0 [sflag:s8], $0x0  }
0x24: {  	s3 =	sadd.s32 $0x88, s3;
	s6 =	simm.s32 @!p1 $0x1082;
	[sflag:s4] =	ssyncset.s32 $0xFFFFF086  }
0x25: {  	[simem:s6], [sflag:s4] =	dma.local [hbm:s3], $0xF7A  }
0x26: {  	[smem:$0x3F88] =	sst s1;
	(tag) =	ssettag s2;
	_ =	strace s9  }
0x27: {  	s1 =	sld [smem:$0x3F98]  }
0x28: {  	s2 =	sld [smem:$0x3F99]  }
0x29: {  	s4 =	sld [smem:$0x3F9B]  }
0x2a: {  	p0 =	seq.s32 s5, $0x0;
	s5 =	sld [smem:$0x3F9C]  }
0x2b: {  	s6 =	sld [smem:$0x3F9D]  }
0x2c: {  	s7 =	sld [smem:$0x3F9E]  }
0x2d: {  	s3 =	simm.s32 $0x108;
	s8 =	sld [smem:$0x3F9F]  }
0x2e: {  	s3 =	simm.s32 @!p0 $0x1082;
	s9 =	sld [smem:$0x3FA0]  }
0x2f: {  	lr =	sadd.s32 s0, s3;
	s0 =	sld [smem:$0x3F97]  }
0x30: {  	s3 =	sld [smem:$0x3F9A]  }
0x31: {  	[smem:$0x3FA3] =	sst s10  }
0x32: {  	s10 =	sld [smem:$0x3FA1];
	_ =	sdelay $0x3  }
0x33: {  	p0 =	seq.s32 s10, $0x1;
	s10 =	sld [smem:$0x3FA3];
	_ =	sdelay $0x3  }
0x34: {  	[smem:$0x3FA3] =	sst s10  }
0x35: {  	s10 =	sld [smem:$0x3FA2];
	_ =	sdelay $0x3  }
0x36: {  	p1 =	seq.s32 s10, $0x1;
	s10 =	sld [smem:$0x3FA3];
	_ =	sdelay $0x3  }
0x37: {  	[smem:$0x3FA3] =	sst s10  }
0x38: {  	s10 =	sld [smem:$0x3FA4]  }
0x39: {  	_ = 	snop;
	(pc) =	sbr.ind lr, $3  }
0x3a: {  	_ = 	snop  }
0x3b: {  	_ = 	snop  }
0x3c: {  	p2 =	seq.s32 s10, $0x1;
	s10 =	sld [smem:$0x3FA3]  }
0x3d: {  	_ =	shalt  }
0x3e: {  	_ =	shalt  }
0x3f: {  	_ =	shalt  }
0x40: {  	_ =	shalt  }
0x41: {  	_ =	shalt  }
0x42: {  	_ =	shalt  }
0x43: {  	_ =	shalt  }
0x44: {  	_ =	shalt  }
0x45: {  	_ =	shalt  }
0x46: {  	_ =	shalt  }
0x47: {  	_ =	shalt  }
0x48: {  	_ =	shalt  }
0x49: {  	_ =	shalt  }
0x4a: {  	_ =	shalt  }
0x4b: {  	_ =	shalt  }
0x4c: {  	_ =	shalt  }
0x4d: {  	_ =	shalt  }
0x4e: {  	_ =	shalt  }
0x4f: {  	_ =	shalt  }
0x50: {  	_ =	shalt  }
0x51: {  	_ =	shalt  }
0x52: {  	_ =	shalt  }
0x53: {  	_ =	shalt  }
0x54: {  	_ =	shalt  }
0x55: {  	_ =	shalt  }
0x56: {  	_ =	shalt  }
0x57: {  	_ =	shalt  }
0x58: {  	_ =	shalt  }
0x59: {  	_ =	shalt  }
0x5a: {  	_ =	shalt  }
0x5b: {  	_ =	shalt  }
0x5c: {  	_ =	shalt  }
0x5d: {  	_ =	shalt  }
0x5e: {  	_ =	shalt  }
0x5f: {  	_ =	shalt  }
0x60: {  	_ =	shalt  }
0x61: {  	_ =	shalt  }
0x62: {  	_ =	shalt  }
0x63: {  	_ =	shalt  }
0x64: {  	_ =	shalt  }
0x65: {  	_ =	shalt  }
0x66: {  	_ =	shalt  }
0x67: {  	_ =	shalt  }
0x68: {  	_ =	shalt  }
0x69: {  	_ =	shalt  }
0x6a: {  	_ =	shalt  }
0x6b: {  	_ =	shalt  }
0x6c: {  	_ =	shalt  }
0x6d: {  	_ =	shalt  }
0x6e: {  	_ =	shalt  }
0x6f: {  	_ =	shalt  }
0x70: {  	_ =	shalt  }
0x71: {  	_ =	shalt  }
0x72: {  	_ =	shalt  }
0x73: {  	_ =	shalt  }
0x74: {  	_ =	shalt  }
0x75: {  	_ =	shalt  }
0x76: {  	_ =	shalt  }
0x77: {  	_ =	shalt  }
0x78: {  	_ =	shalt  }
0x79: {  	_ =	shalt  }
0x7a: {  	_ =	shalt  }
0x7b: {  	_ =	shalt  }
0x7c: {  	_ =	shalt  }
0x7d: {  	_ =	shalt  }
0x7e: {  	_ =	shalt  }
0x7f: {  	_ =	shalt  }
0x80: {  	_ =	shalt  }
0x81: {  	_ =	shalt  }
0x82: {  	_ =	shalt  }
0x83: {  	_ =	shalt  }
0x84: {  	_ =	shalt  }
0x85: {  	_ =	shalt  }
0x86: {  	_ =	shalt  }
0x87: {  	_ =	shalt  }
.Lfunc_end0:
.L_simem_size_0:
called_computation.1_lowered:
.L_overlay_start_0:
0x88: {  	s2 =	sld [smem:$0x3FD9]  }
0x89: {  	s3 =	sld [smem:$0x3FFE];
	_ =	sdelay $0x1  }
0x8a: {  	s1 =	srdreg.scid  }
0x8b: {  	s0 =	sand.u32 $0x1, s1  }
0x8c: {  	s16 =	sshll.u32 s0, $0xA;
	s2 =	sadd.s32 s3, s2  }
0x8d: {  	s2 =	sadd.s32 s2, s16  }
0x8e: {  	[smem:$0x3FAF] =	sst s2  }
0x8f: {  	_ = 	snop  }
0x90: {  	(tm) =	ssettm $0x1  }
0x91: {  	s17 =	sld [smem:$0x3FFB];
	_ =	sdelay $0x3  }
0x92: {  	_ =	strace s17  }
0x93: {  	s2 =	sld [smem:$0x3FFC];
	_ =	sdelay $0x3  }
0x94: {  	_ =	strace s2  }
0x95: {  	s2 =	sld [smem:$0x3FFD];
	_ =	sdelay $0x3  }
0x96: {  	_ =	strace s2  }
0x97: {  	_ =	strace $0x8FFFFFFF  }
0x98: {  	s18 =	sld [smem:$0x3FDB];
	_ =	sdelay $0x1  }
0x99: {  	s19 =	simm.s32 $_scs_section_size  }
0x9a: {  	s4 =	simm.s32 $_size__tile_overlayer_lowered;
	s5 =	simm.s32 $_tile_overlayer_lowered  }
0x9b: {  	s22 =	simm.s32 $0x1BFF;
	s21 =	sshll.u32 s5, $0x1;
	s2 =	sadd.s32 s19, s18  }
0x9c: {  	s6 =	simm.s32 $0x0;
	s20 =	sshll.u32 s4, $0x1;
	s4 =	sadd.s32 s21, s2  }
0x9d: {  	[timem:s6], [sflag:s22] =	dma.local [hbm:s4], s20  }
0x9e: {  	_ =	swait.ge [sflag:s22], s20  }
0x9f: {  	s3 =	ssub.s32 $0x0, s20;
	[sflag:s22] =	ssyncset.done $0x0  }
0xa0: {  	[sflag:s22] =	ssyncadd.s32 s3;
	_ =	sdelay $0x1  }
0xa1: {  	s23 =	simm.s32 $0x1B8B  }
0xa2: {  	_ =	swait.ge [sflag:s23], $0x1  }
0xa3: {  	[sflag:s23] =	ssyncset.done $0x0  }
0xa4: {  	s25 =	simm.s32 $0x1B8E;
	s24 =	sld [smem:$0x3FFE];
	[sflag:s23] =	ssyncadd.s32 $0xFFFFFFFF  }
0xa5: {  	s26 =	simm.s32 $execute0_lowered;
	[smem:$0x3FD2] =	sst s25  }
0xa6: {  	s4 =	sshll.u32 s26, $0x1;
	_ =	strace $0x80000049;
	[dreg:$0x1] =	wrdreg $0xFFFFFFFF  }
0xa7: {  	s28 =	simm.s32 $_size_execute0_lowered;
	s2 =	sadd.s32 s2, s4;
	[dreg:$0x0] =	wrdreg $0x0  }
0xa8: {  	s4 =	sshll.u32 s28, $0x1;
	[dreg:$0x2] =	wrdreg s2  }
0xa9: {  	[dreg:$0x3] =	wrdreg s4  }
0xaa: {  	[dreg:$0x4] =	wrdreg $0xC0  }
0xab: {  	_ =	task [dreg:s6], $0x5FFFF  }
0xac: {  	[dreg:$0x1] =	wrdreg $0xFFFFFFFF  }
0xad: {  	[dreg:$0x0] =	wrdreg $0x60  }
0xae: {  	[dreg:$0x2] =	wrdreg s24  }
0xaf: {  	[dreg:$0x3] =	wrdreg $0x37500  }
0xb0: {  	[dreg:$0x4] =	wrdreg $0x9  }
0xb1: {  	_ =	task.clear_ibuf [dreg:s6], $0x5FFFF;
	_ =	strace $0x90000049  }
0xb2: {  	s29 =	simm.s32 $0x9;
	_ =	strace $0x8000004B  }
0xb3: {  	_ =	swait.ge [sflag:s29], $0x1  }
0xb4: {  	[sflag:s29] =	ssyncadd.s32 $0xFFFFFFFF  }
0xb5: {  	_ =	strace $0x9000004B  }
0xb6: {  	_ =	sfence  }
0xb7: {  	s30 =	sld [smem:$0x0];
	_ =	sdelay $0x2  }
0xb8: {  	s31 =	sshll.u32 s1, $0xD;
	s1 =	sshrl.u32 s1, $0x2  }
0xb9: {  	s3 =	sand.u32 $0x4000, s31;
	s1 =	sadd.s32 s1, s30  }
0xba: {  	s0 =	sor.u32 s3, s0;
	s1 =	sshll.u32 s1, $0x11  }
0xbb: {  	s0 =	sor.u32 s1, s0  }
0xbc: {  	s0 =	sadd.s32 $0x8F2B, s0  }
0xbd: {  	[sflag:s0] =	ssyncadd.remote.s32 $0x1  }
0xbe: {  	_ =	sfence.sel $0xFFFF  }
0xbf: {  	[dreg:$0x0] =	wrdreg $0xFFFFFFFF;
	(pc) =	sbr.abs _section_cstart, $3  }
0xc0: {  	[dreg:$0x1] =	wrdreg $0xFFFFFFFF  }
0xc1: {  	_ =	task.clear_ibuf [dreg:s6], $0x2FFFF;
	_ =	strace $0x9FFFFFFF  }
0xc2: {  	(tm) =	ssettm $0x7FFFFFFF  }
0xc3: {  	_ =	shalt  }
tec
execute0_lowered:
.L_overlay_start_1:
0x0: {  	(tag) =	ssettag $0x1  }
0x1: {  	s1 =	srdreg.scid;
	s0 =	stileid.u32  }
0x2: {  	s6 =	rddreg [dreg:$0x0];
	s5 =	smul.u32 $0x4E20, s0  }
0x3: {  	s2 =	rddreg [dreg:$0x1];
	s3 =	simm.s32 $0x0;
	s8 =	smul.u32 $0x6B6C0, s0  }
0x4: {  	s4 =	sand.u32 $0x1, s1;
	s1 =	rddreg [dreg:$0x2];
	s9 =	smul.u32 $0x1ADB0, s0  }
0x5: {  	[smem:$0x7FF] =	sst s3;
	s31 =	sshll.u32 s0, $0x6;
	s7 =	smul.u32 $0x2710, s4  }
0x6: {  	s26 =	smul.u32 $0x1ADB00, s4;
	_ =	strace $0x8000004A;
	s11 =	ssub.s32 $0x2, s4  }
0x7: {  	s12 =	smul.u32 $0x35B60, s4;
	s8 =	sadd.s32 s8, s6;
	s29 =	sshrl.u32 s9, $0x3  }
0x8: {  	s30 =	sshrl.u32 s11, $0x1;
	s13 =	sadd.s32 s9, s2;
	s5 =	sadd.s32 s7, s5  }
0x9: {  	s28 =	sadd.s32 s9, s26;
	s7 =	sadd.s32 s29, s6;
	s11 =	ssub.s32 s11, s30  }
0xa: {  	s8 =	sadd.s32 s12, s8;
	s12 =	simm.s32 $0x50;
	s5 =	sshrl.u32 s5, $0x3  }
0xb: {  	s4 =	sadd.s32 $0x7C800, s7;
	s7 =	smax.u32 s11, $0x1;
	s8 =	sadd.s32 $0xA80200, s8  }
0xc: {  	s11 =	simm.s32 $0x1;
	s10 =	sadd.s32 s5, s6;
	s5 =	sshrl.u32 s28, $0x3  }
0xd: {  	s6 =	sadd.s32 s5, s6;
	s5 =	sor.u32 $0x1C01, s31;
	s9 =	sadd.s32 $0xB2400, s10  }
0xe: {  	s10 =	sshrl.u32 s13, $0x3;
	s13 =	simm.s32 $0x0;
	s6 =	sadd.s32 $0xBC200, s6  }
.LBB2_1:
0xf: {  	[spmem:s10], [sflag:s5] =	dma.local [hbm:s4], $0x35B6  }
0x10: {  	_ =	swait.ge [sflag:s11], $0x35B6  }
0x11: {  	[sflag:s11] =	ssyncset.done $0x0  }
0x12: {  	[sflag:s11] =	ssyncadd.s32 $0xFFFFCA4A  }
0x13: {  	s14 =	sadd.s32 $0x0, s9;
	[bflag:$0x0] =	sbarrier.arrive $0xFFFF  }
0x14: {  	[tilespmem:s3], [sflag:$0x1] =	stream.linear.gather [hbm4b:s14+s3], $0x50, $0x38;
	[tilespmem:$0x1E500] =	vst v63  }
0x15: {  	_ =	swait.ge [sflag:s11], $0x50  }
0x16: {  	[sflag:s11] =	ssyncset.done $0x0  }
0x17: {  	[sflag:s11] =	ssyncadd.s32 $0xFFFFFFB0  }
0x18: {  	[tilespmem:s12], [sflag:$0x1] =	stream.linear.gather [hbm4b:s8+s3], $0x3700, $0x38;
	[tilespmem:$0x1E500] =	vst v63  }
0x19: {  	_ =	swait.ge [sflag:s11], $0x3700  }
0x1a: {  	[sflag:s11] =	ssyncset.done $0x0  }
0x1b: {  	[sflag:s11] =	ssyncadd.s32 $0xFFFFC900  }
0x1c: {  	[spmem:s2] =	stream.indirect.scatter.add.f32 [tilespmem:s12], [sflag:$0x1], $0xB0, s3, s12, $0xb8;
	[tilespmem:$0x1E500] =	vst v63  }
0x1d: {  	s15 =	simm.s32 $0xA;
	_ =	swait.ge [sflag:s11], $0x3700  }
0x1e: {  	s16 =	simm.s32 $0x14;
	s14 =	sadd.s32 $0x6E0, s8;
	[sflag:s11] =	ssyncset.done $0x0  }
.LBB2_2:
0x1f: {  	s17 =	sadd.s32 s15, s9  }
0x20: {  	[sflag:s11] =	ssyncadd.s32 $0xFFFFC900;
	s15 =	smov.u32 s16;
	s18 =	sadd.s32 $0xA, s16  }
0x21: {  	[tilespmem:s3], [sflag:$0x1] =	stream.linear.gather [hbm4b:s17+s3], $0x50, $0x38;
	[tilespmem:$0x1E500] =	vst v63  }
0x22: {  	p0 =	sne.s32 s16, $0x4D8;
	_ =	swait.ge [sflag:s11], $0x50  }
0x23: {  	[sflag:s11] =	ssyncset.done $0x0  }
0x24: {  	[sflag:s11] =	ssyncadd.s32 $0xFFFFFFB0  }
0x25: {  	[tilespmem:s12], [sflag:$0x1] =	stream.linear.gather [hbm4b:s14+s3], $0x3700, $0x38;
	[tilespmem:$0x1E500] =	vst v63  }
0x26: {  	_ =	swait.ge [sflag:s11], $0x3700  }
.Ltmp0:
0x27: {  	[sflag:s11] =	ssyncset.done $0x0;
	(pc) =	sbr.rel @p0 .LBB2_2-.Ltmp0, $4  }
0x28: {  	[sflag:s11] =	ssyncadd.s32 $0xFFFFC900  }
0x29: {  	[spmem:s2] =	stream.indirect.scatter.add.f32 [tilespmem:s12], [sflag:$0x1], $0xB0, s3, s12, $0xb8;
	[tilespmem:$0x1E500] =	vst v63  }
0x2a: {  	_ =	swait.ge [sflag:s11], $0x3700  }
0x2b: {  	s16 =	smov.u32 s18;
	s14 =	sadd.s32 $0x6E0, s14;
	[sflag:s11] =	ssyncset.done $0x0  }
0x2c: {  	s15 =	sadd.s32 s15, s9;
	[sflag:s11] =	ssyncadd.s32 $0xFFFFC900  }
0x2d: {  	[tilespmem:s3], [sflag:$0x1] =	stream.linear.gather [hbm4b:s15+s3], $0x50, $0x38;
	[tilespmem:$0x1E500] =	vst v63  }
0x2e: {  	_ =	swait.ge [sflag:s11], $0x50  }
0x2f: {  	[sflag:s11] =	ssyncset.done $0x0  }
0x30: {  	[sflag:s11] =	ssyncadd.s32 $0xFFFFFFB0  }
0x31: {  	[tilespmem:s12], [sflag:$0x1] =	stream.linear.gather [hbm4b:s14+s3], $0x3700, $0x38;
	[tilespmem:$0x1E500] =	vst v63  }
0x32: {  	_ =	swait.ge [sflag:s11], $0x3700  }
0x33: {  	[sflag:s11] =	ssyncset.done $0x0  }
0x34: {  	[sflag:s11] =	ssyncadd.s32 $0xFFFFC900  }
0x35: {  	[spmem:s2] =	stream.indirect.scatter.add.f32 [tilespmem:s12], [sflag:$0x1], $0xB0, s3, s12, $0xb8;
	[tilespmem:$0x1E500] =	vst v63  }
0x36: {  	_ =	swait.ge [sflag:s11], $0x3700  }
0x37: {  	s13 =	sadd.s32 $0x1, s13;
	[sflag:s11] =	ssyncset.done $0x0  }
0x38: {  	p0 =	sne.s32 s13, s7;
	[sflag:s11] =	ssyncadd.s32 $0xFFFFC900  }
.Ltmp1:
0x39: {  	[bflag:$0x0] =	sbarrier.arrive $0xFFFF;
	(pc) =	sbr.rel @p0 .LBB2_1-.Ltmp1, $4  }
0x3a: {  	[hbm:s6], [sflag:s5] =	dma.local [spmem:s10], $0x35B6  }
0x3b: {  	_ =	swait.ge [sflag:s11], $0x35B6  }
0x3c: {  	[sflag:s11] =	ssyncset.done $0x0  }
0x3d: {  	[sflag:s11] =	ssyncadd.s32 $0xFFFFCA4A  }
0x3e: {  	_ =	sfence.sel $0x180000  }
0x3f: {  	[bflag:$0x0] =	sbarrier.arrive $0xFFFF  }
0x40: {  	p0 =	sne.s32 s0, $0x0;
	_ =	strace $0x9000004A  }
0x41: {  	s0 =	sadd.s32 @!p0 $0x100000, s1;
	[bflag:$0x2] =	sbarrier.arrive $0xFFFF  }
0x42: {  	[sflag:s0] =	ssyncadd.tile.s32 @!p0 $0x1;
	_ =	shalt  }
.Lfunc_end2:
_tile_overlayer_lowered:
.L_overlay_start_2:
0x43: {  	(tag) =	ssettag $0x2  }
0x44: {  	s0 =	rddreg [dreg:$0x0];
	s2 =	stileid.u32  }
0x45: {  	s1 =	rddreg [dreg:$0x1];
	p0 =	sne.s32 s2, $0x0  }
0x46: {  	s3 =	rddreg [dreg:$0x2];
	[bflag:$0x3] =	sbarrier.arrive $0xFFFF;
	s2 =	simm.s32 @!p0 $0x1C01  }
0x47: {  	[timem:s3], [sflag:s2] =	dma.local @!p0 [hbm:s0], s1  }
0x48: {  	s0 =	simm.s32 @!p0 $0x1  }
0x49: {  	_ =	swait.ge @!p0 [sflag:s0], s1  }
0x4a: {  	s1 =	ssub.s32 @!p0 $0x0, s1;
	[sflag:s0] =	ssyncset.done @!p0 $0x0  }
0x4b: {  	[sflag:s0] =	ssyncadd.s32 @!p0 s1  }
0x4c: {  	[bflag:$0x3] =	sbarrier.arrive $0xFFFF  }
0x4d: {  	_ =	shalt  }

// kernel: kernel.7.cloned.1.call-start
scs
__scs_entry_jumppad:
0x0: {  	(pc) =	sbr.rel $0x88, $3  }
0x1: {  	(tag) =	ssettag $0x0;
	lr =	simm.s32 $0x1  }
0x2: {  	[smem:$0x3F88] =	sst lr;
	_ =	strace $0xD0000000  }
0x3: {  	_ = 	snop  }
0x4: {  	_ = 	snop  }
0x5: {  	_ = 	snop  }
0x6: {  	_ = 	snop  }
0x7: {  	_ = 	snop  }
__scs_overlays_trampoline_lowered:
0x8: {  	[smem:$0x3F97] =	sst s0  }
0x9: {  	[smem:$0x3F98] =	sst s1  }
0xa: {  	[smem:$0x3F99] =	sst s2  }
0xb: {  	[smem:$0x3F9A] =	sst s3  }
0xc: {  	[smem:$0x3F9B] =	sst s4  }
0xd: {  	[smem:$0x3F9C] =	sst s5  }
0xe: {  	[smem:$0x3F9D] =	sst s6  }
0xf: {  	[smem:$0x3F9E] =	sst s7  }
0x10: {  	[smem:$0x3F9F] =	sst s8  }
0x11: {  	[smem:$0x3FA0] =	sst s9;
	s0 =	simm.s32 @!p0 $0x0  }
0x12: {  	s1 =	sld [smem:$0x3F86];
	s0 =	simm.s32 @p0 $0x1  }
0x13: {  	[smem:$0x3FA1] =	sst s0;
	s0 =	simm.s32 @!p1 $0x0  }
0x14: {  	s2 =	sld [smem:$0x3F85];
	s0 =	simm.s32 @p1 $0x1  }
0x15: {  	[smem:$0x3FA2] =	sst s0;
	s0 =	simm.s32 @!p2 $0x0  }
0x16: {  	s3 =	sld [smem:$0x3FDB];
	s0 =	simm.s32 @p2 $0x1  }
0x17: {  	s4 =	simm.s32 $0x1BF5;
	[smem:$0x3FA4] =	sst s0  }
0x18: {  	s0 =	sld [smem:$0x3F87];
	_ =	swait.ge [sflag:s4], $0x0  }
0x19: {  	s7 =	sld [smem:$0x3F88]  }
0x1a: {  	s8 =	sadd.s32 $0xFFFFE003, lr  }
0x1b: {  	s9 =	sadd.s32 $0xFFFFFEF7, lr;
	s5 =	simm.s32 $0xFFFFFFFF;
	p2 =	slt.u32 s8, $0xFFFFF086  }
0x1c: {  	p1 =	slt.u32 s9, $0xF7A;
	s5 =	simm.s32 @!p2 $0x0  }
0x1d: {  	s5 =	simm.s32 @p1 $0x1;
	p0 =	seq.s32 s7, s2  }
0x1e: {  	s7 =	smul.u32 @!p0 $0xF7A, s2;
	p2 =	seq.s32 @!p0 s5, $0x0  }
0x1f: {  	s9 =	smul.u32 $0xF7A, s1;
	s8 =	simm.s32 @!p0 $0x1BF5;
	p2 =	por !p2, p0  }
0x20: {  	[sflag:s8] =	ssyncset.s32 @!p0 $0xFFFFF086;
	s6 =	sadd.s32 @!p0 s3, s7;
	s7 =	simm.s32 @!p0 $0x108  }
0x21: {  	s3 =	sadd.s32 s3, s9;
	s6 =	sadd.s32 @!p0 $0x88, s6;
	s7 =	simm.s32 @p2 $0x1082  }
0x22: {  	[simem:s7], [sflag:s8] =	dma.local @!p0 [hbm:s6], $0xF7A  }
0x23: {  	s9 =	sor.u32 $0xD0000000, s2;
	s6 =	simm.s32 $0x108;
	_ =	swait.ge @!p0 [sflag:s8], $0x0  }
0x24: {  	s3 =	sadd.s32 $0x88, s3;
	s6 =	simm.s32 @!p1 $0x1082;
	[sflag:s4] =	ssyncset.s32 $0xFFFFF086  }
0x25: {  	[simem:s6], [sflag:s4] =	dma.local [hbm:s3], $0xF7A  }
0x26: {  	[smem:$0x3F88] =	sst s1;
	(tag) =	ssettag s2;
	_ =	strace s9  }
0x27: {  	s1 =	sld [smem:$0x3F98]  }
0x28: {  	s2 =	sld [smem:$0x3F99]  }
0x29: {  	s4 =	sld [smem:$0x3F9B]  }
0x2a: {  	p0 =	seq.s32 s5, $0x0;
	s5 =	sld [smem:$0x3F9C]  }
0x2b: {  	s6 =	sld [smem:$0x3F9D]  }
0x2c: {  	s7 =	sld [smem:$0x3F9E]  }
0x2d: {  	s3 =	simm.s32 $0x108;
	s8 =	sld [smem:$0x3F9F]  }
0x2e: {  	s3 =	simm.s32 @!p0 $0x1082;
	s9 =	sld [smem:$0x3FA0]  }
0x2f: {  	lr =	sadd.s32 s0, s3;
	s0 =	sld [smem:$0x3F97]  }
0x30: {  	s3 =	sld [smem:$0x3F9A]  }
0x31: {  	[smem:$0x3FA3] =	sst s10  }
0x32: {  	s10 =	sld [smem:$0x3FA1];
	_ =	sdelay $0x3  }
0x33: {  	p0 =	seq.s32 s10, $0x1;
	s10 =	sld [smem:$0x3FA3];
	_ =	sdelay $0x3  }
0x34: {  	[smem:$0x3FA3] =	sst s10  }
0x35: {  	s10 =	sld [smem:$0x3FA2];
	_ =	sdelay $0x3  }
0x36: {  	p1 =	seq.s32 s10, $0x1;
	s10 =	sld [smem:$0x3FA3];
	_ =	sdelay $0x3  }
0x37: {  	[smem:$0x3FA3] =	sst s10  }
0x38: {  	s10 =	sld [smem:$0x3FA4]  }
0x39: {  	_ = 	snop;
	(pc) =	sbr.ind lr, $3  }
0x3a: {  	_ = 	snop  }
0x3b: {  	_ = 	snop  }
0x3c: {  	p2 =	seq.s32 s10, $0x1;
	s10 =	sld [smem:$0x3FA3]  }
0x3d: {  	_ =	shalt  }
0x3e: {  	_ =	shalt  }
0x3f: {  	_ =	shalt  }
0x40: {  	_ =	shalt  }
0x41: {  	_ =	shalt  }
0x42: {  	_ =	shalt  }
0x43: {  	_ =	shalt  }
0x44: {  	_ =	shalt  }
0x45: {  	_ =	shalt  }
0x46: {  	_ =	shalt  }
0x47: {  	_ =	shalt  }
0x48: {  	_ =	shalt  }
0x49: {  	_ =	shalt  }
0x4a: {  	_ =	shalt  }
0x4b: {  	_ =	shalt  }
0x4c: {  	_ =	shalt  }
0x4d: {  	_ =	shalt  }
0x4e: {  	_ =	shalt  }
0x4f: {  	_ =	shalt  }
0x50: {  	_ =	shalt  }
0x51: {  	_ =	shalt  }
0x52: {  	_ =	shalt  }
0x53: {  	_ =	shalt  }
0x54: {  	_ =	shalt  }
0x55: {  	_ =	shalt  }
0x56: {  	_ =	shalt  }
0x57: {  	_ =	shalt  }
0x58: {  	_ =	shalt  }
0x59: {  	_ =	shalt  }
0x5a: {  	_ =	shalt  }
0x5b: {  	_ =	shalt  }
0x5c: {  	_ =	shalt  }
0x5d: {  	_ =	shalt  }
0x5e: {  	_ =	shalt  }
0x5f: {  	_ =	shalt  }
0x60: {  	_ =	shalt  }
0x61: {  	_ =	shalt  }
0x62: {  	_ =	shalt  }
0x63: {  	_ =	shalt  }
0x64: {  	_ =	shalt  }
0x65: {  	_ =	shalt  }
0x66: {  	_ =	shalt  }
0x67: {  	_ =	shalt  }
0x68: {  	_ =	shalt  }
0x69: {  	_ =	shalt  }
0x6a: {  	_ =	shalt  }
0x6b: {  	_ =	shalt  }
0x6c: {  	_ =	shalt  }
0x6d: {  	_ =	shalt  }
0x6e: {  	_ =	shalt  }
0x6f: {  	_ =	shalt  }
0x70: {  	_ =	shalt  }
0x71: {  	_ =	shalt  }
0x72: {  	_ =	shalt  }
0x73: {  	_ =	shalt  }
0x74: {  	_ =	shalt  }
0x75: {  	_ =	shalt  }
0x76: {  	_ =	shalt  }
0x77: {  	_ =	shalt  }
0x78: {  	_ =	shalt  }
0x79: {  	_ =	shalt  }
0x7a: {  	_ =	shalt  }
0x7b: {  	_ =	shalt  }
0x7c: {  	_ =	shalt  }
0x7d: {  	_ =	shalt  }
0x7e: {  	_ =	shalt  }
0x7f: {  	_ =	shalt  }
0x80: {  	_ =	shalt  }
0x81: {  	_ =	shalt  }
0x82: {  	_ =	shalt  }
0x83: {  	_ =	shalt  }
0x84: {  	_ =	shalt  }
0x85: {  	_ =	shalt  }
0x86: {  	_ =	shalt  }
0x87: {  	_ =	shalt  }
.Lfunc_end0:
.L_simem_size_0:
called_computation_lowered:
.L_overlay_start_0:
0x88: {  	s2 =	sld [smem:$0x3FD9]  }
0x89: {  	s3 =	sld [smem:$0x3FFE];
	_ =	sdelay $0x1  }
0x8a: {  	s1 =	srdreg.scid  }
0x8b: {  	s0 =	sand.u32 $0x1, s1  }
0x8c: {  	s14 =	sshll.u32 s0, $0xA;
	s2 =	sadd.s32 s3, s2  }
0x8d: {  	s2 =	sadd.s32 s2, s14  }
0x8e: {  	[smem:$0x3FAF] =	sst s2  }
0x8f: {  	_ = 	snop  }
0x90: {  	s2 =	sld [smem:$0x3FD0];
	_ =	sdelay $0x2  }
0x91: {  	s15 =	simm.s32 $0xA;
	s4 =	simm.s32 $0x10  }
0x92: {  	[smem:s4], [sflag:s15] =	dma.local [hbm:s2], $0x1  }
0x93: {  	_ =	swait.eq [sflag:s15], $0x1  }
0x94: {  	[sflag:s15] =	ssyncset.done $0x0  }
0x95: {  	[sflag:s15] =	ssyncadd.s32 $0xFFFFFFFF  }
0x96: {  	s16 =	sld [smem:$0x11];
	(tm) =	ssettm $0x1  }
0x97: {  	s17 =	sld [smem:$0x3FFB];
	_ =	sdelay $0x3  }
0x98: {  	_ =	strace s17  }
0x99: {  	s3 =	sld [smem:$0x3FFC];
	_ =	sdelay $0x3  }
0x9a: {  	_ =	strace s3  }
0x9b: {  	s3 =	sld [smem:$0x3FFD];
	_ =	sdelay $0x3  }
0x9c: {  	_ =	strace s3  }
0x9d: {  	_ =	strace $0x8FFFFFFF  }
0x9e: {  	s18 =	sld [smem:$0x3FDB];
	_ =	sdelay $0x1  }
0x9f: {  	s19 =	simm.s32 $_scs_section_size  }
0xa0: {  	s5 =	simm.s32 $_size__tile_overlayer_lowered;
	s6 =	simm.s32 $_tile_overlayer_lowered  }
0xa1: {  	s22 =	simm.s32 $0x1BFF;
	s21 =	sshll.u32 s6, $0x1;
	s3 =	sadd.s32 s19, s18  }
0xa2: {  	s7 =	simm.s32 $0x0;
	s20 =	sshll.u32 s5, $0x1;
	s5 =	sadd.s32 s21, s3  }
0xa3: {  	[timem:s7], [sflag:s22] =	dma.local [hbm:s5], s20  }
0xa4: {  	_ =	swait.ge [sflag:s22], s20  }
0xa5: {  	s4 =	ssub.s32 $0x0, s20;
	[sflag:s22] =	ssyncset.done $0x0  }
0xa6: {  	[sflag:s22] =	ssyncadd.s32 s4;
	_ =	sdelay $0x1  }
0xa7: {  	s23 =	simm.s32 $0x1B8B  }
0xa8: {  	_ =	swait.ge [sflag:s23], $0x1  }
0xa9: {  	[sflag:s23] =	ssyncset.done $0x0  }
0xaa: {  	s25 =	simm.s32 $0x1B8E;
	s24 =	sld [smem:$0x3FFE];
	[sflag:s23] =	ssyncadd.s32 $0xFFFFFFFF  }
0xab: {  	s26 =	simm.s32 $execute0_lowered;
	[smem:$0x3FD2] =	sst s25  }
0xac: {  	s5 =	sshll.u32 s26, $0x1;
	_ =	strace $0x80000046;
	[dreg:$0x1] =	wrdreg $0xFFFFFFFF  }
0xad: {  	s28 =	simm.s32 $_size_execute0_lowered;
	s3 =	sadd.s32 s3, s5;
	[dreg:$0x0] =	wrdreg $0x0  }
0xae: {  	s5 =	sshll.u32 s28, $0x1;
	[dreg:$0x2] =	wrdreg s3  }
0xaf: {  	[dreg:$0x3] =	wrdreg s5  }
0xb0: {  	[dreg:$0x4] =	wrdreg $0xC0  }
0xb1: {  	_ =	task [dreg:s7], $0x5FFFF  }
0xb2: {  	[dreg:$0x1] =	wrdreg $0xFFFFFFFF  }
0xb3: {  	[dreg:$0x0] =	wrdreg $0x60  }
0xb4: {  	[dreg:$0x2] =	wrdreg s16  }
0xb5: {  	[dreg:$0x3] =	wrdreg s24  }
0xb6: {  	[dreg:$0x4] =	wrdreg $0x9  }
0xb7: {  	_ =	task.clear_ibuf [dreg:s7], $0x5FFFF;
	_ =	strace $0x90000046  }
0xb8: {  	s29 =	simm.s32 $0x9;
	_ =	strace $0x80000048  }
0xb9: {  	_ =	swait.ge [sflag:s29], $0x1  }
0xba: {  	[sflag:s29] =	ssyncadd.s32 $0xFFFFFFFF  }
0xbb: {  	_ =	strace $0x90000048  }
0xbc: {  	_ =	sfence  }
0xbd: {  	s30 =	sld [smem:$0x0];
	_ =	sdelay $0x2  }
0xbe: {  	s31 =	sshll.u32 s1, $0xD;
	s1 =	sshrl.u32 s1, $0x2  }
0xbf: {  	s3 =	sand.u32 $0x4000, s31;
	s1 =	sadd.s32 s1, s30  }
0xc0: {  	s0 =	sor.u32 s3, s0;
	s1 =	sshll.u32 s1, $0x11  }
0xc1: {  	s0 =	sor.u32 s1, s0  }
0xc2: {  	s0 =	sadd.s32 $0x8F2B, s0  }
0xc3: {  	[sflag:s0] =	ssyncadd.remote.s32 $0x1  }
0xc4: {  	_ =	sfence.sel $0xFFFF  }
0xc5: {  	[dreg:$0x0] =	wrdreg $0xFFFFFFFF;
	(pc) =	sbr.abs _section_cstart, $3  }
0xc6: {  	[dreg:$0x1] =	wrdreg $0xFFFFFFFF  }
0xc7: {  	_ =	task.clear_ibuf [dreg:s7], $0x2FFFF;
	_ =	strace $0x9FFFFFFF  }
0xc8: {  	(tm) =	ssettm $0x7FFFFFFF  }
0xc9: {  	_ =	shalt  }
tec
execute0_lowered:
.L_overlay_start_1:
0x0: {  	(tag) =	ssettag $0x1  }
0x1: {  	s1 =	srdreg.scid;
	s0 =	stileid.u32  }
0x2: {  	s9 =	rddreg [dreg:$0x0];
	s3 =	smul.u32 $0x4E20, s0  }
0x3: {  	s6 =	rddreg [dreg:$0x1];
	s7 =	smul.u32 $0x6B6C0, s0  }
0x4: {  	s2 =	simm.s32 $0x0;
	s5 =	sand.u32 $0x1, s1;
	s8 =	smul.u32 $0x75300, s0  }
0x5: {  	s14 =	simm.s32 $0x1;
	s15 =	simm.s32 $0x2;
	s4 =	smul.u32 $0x2710, s5  }
0x6: {  	s16 =	simm.s32 $0x0;
	s1 =	rddreg [dreg:$0x2];
	s12 =	smul.u32 $0x3A980, s5  }
0x7: {  	[smem:$0x7FF] =	sst s2;
	s13 =	ssub.s32 $0x2, s5;
	s5 =	smul.u32 $0x35B60, s5  }
0x8: {  	_ =	strace $0x80000047;
	s7 =	sadd.s32 s7, s6;
	s31 =	sshrl.u32 s13, $0x1  }
0x9: {  	s3 =	sadd.s32 s4, s3;
	s4 =	sadd.s32 $0xCAA00, s6;
	s7 =	sadd.s32 s5, s7  }
0xa: {  	s10 =	sshrl.u32 s3, $0x3;
	s3 =	sadd.s32 $0x7C800, s6;
	s7 =	sadd.s32 $0x858400, s7  }
0xb: {  	s11 =	sadd.s32 s10, s6;
	s6 =	sadd.s32 s8, s6;
	s8 =	ssub.s32 s13, s31  }
0xc: {  	s9 =	sadd.s32 s10, s9;
	s10 =	simm.s32 $0x3;
	s13 =	simm.s32 $0x8B10  }
0xd: {  	s6 =	sadd.s32 s12, s6;
	s5 =	smax.u32 s8, $0x1;
	s8 =	sadd.s32 $0xB2400, s11  }
0xe: {  	s11 =	simm.s32 $0xC8;
	s12 =	simm.s32 $0x190;
	s6 =	sadd.s32 $0x105400, s6  }
.LBB2_1:
0xf: {  	s17 =	sadd.s32 $0x0, s9  }
0x10: {  	[tilespmem:s2], [sflag:$0x3] =	stream.linear.gather [hbm4b:s17+s2], $0xC8, $0x38;
	[tilespmem:$0x12110] =	vst v63  }
0x11: {  	_ =	swait.ge [sflag:s10], $0xC8  }
0x12: {  	[sflag:s10] =	ssyncset.done $0x0  }
0x13: {  	s31 =	sadd.s32 $0x0, s8;
	[sflag:s10] =	ssyncadd.s32 $0xFFFFFF38  }
0x14: {  	[tilespmem:s11], [sflag:$0x3] =	stream.linear.gather [hbm4b:s31+s2], $0xC8, $0x38;
	[tilespmem:$0x12110] =	vst v63  }
0x15: {  	_ =	swait.ge [sflag:s10], $0xC8  }
0x16: {  	[sflag:s10] =	ssyncset.done $0x0  }
0x17: {  	[sflag:s10] =	ssyncadd.s32 $0xFFFFFF38  }
0x18: {  	[tilespmem:s12], [sflag:$0x1] =	stream.indirect.gather [hbm4b:s3+s11], $0xB0, s2, s11, $0xb8;
	[tilespmem:$0x12110] =	vst v63  }
0x19: {  	_ = 	snop  }
0x1a: {  	[tilespmem:s13], [sflag:$0x2] =	stream.indirect.gather [hbm4b:s4+s11], $0xC0, s11, s11, $0xb8;
	[tilespmem:$0x12110] =	vst v63  }
0x1b: {  	_ =	swait.ge [sflag:s14], $0x8980  }
0x1c: {  	[sflag:s14] =	ssyncset.done $0x0  }
0x1d: {  	[sflag:s14] =	ssyncadd.s32 $0xFFFF7680  }
0x1e: {  	_ =	swait.ge [sflag:s15], $0x9600  }
0x1f: {  	[sflag:s15] =	ssyncset.done $0x0  }
0x20: {  	[sflag:s15] =	ssyncadd.s32 $0xFFFF6A00  }
0x21: {  	[hbm4b:s7+s2] =	stream.linear.scatter [tilespmem:s12], [sflag:$0x3], $0x8980, $0x38;
	[tilespmem:$0x12110] =	vst v63  }
0x22: {  	_ =	swait.ge [sflag:s10], $0x8980  }
0x23: {  	[sflag:s10] =	ssyncset.done $0x0  }
0x24: {  	[sflag:s10] =	ssyncadd.s32 $0xFFFF7680  }
0x25: {  	[hbm4b:s6+s2] =	stream.linear.scatter [tilespmem:s13], [sflag:$0x3], $0x9600, $0x38;
	[tilespmem:$0x12110] =	vst v63  }
0x26: {  	s19 =	simm.s32 $0x19;
	s20 =	simm.s32 $0x32;
	_ =	swait.ge [sflag:s10], $0x9600  }
0x27: {  	s18 =	sadd.s32 $0x1130, s7;
	s17 =	sadd.s32 $0x12C0, s6;
	[sflag:s10] =	ssyncset.done $0x0  }
.LBB2_2:
0x28: {  	s21 =	sadd.s32 s19, s9  }
0x29: {  	[sflag:s10] =	ssyncadd.s32 $0xFFFF6A00;
	s22 =	smov.u32 s20;
	s23 =	sadd.s32 $0x19, s20  }
0x2a: {  	[tilespmem:s2], [sflag:$0x3] =	stream.linear.gather [hbm4b:s21+s2], $0xC8, $0x38;
	[tilespmem:$0x12110] =	vst v63  }
0x2b: {  	p0 =	sne.s32 s20, $0x4C9;
	_ =	swait.ge [sflag:s10], $0xC8  }
0x2c: {  	[sflag:s10] =	ssyncset.done $0x0  }
0x2d: {  	s20 =	sadd.s32 s19, s8;
	s19 =	smov.u32 s22;
	[sflag:s10] =	ssyncadd.s32 $0xFFFFFF38  }
0x2e: {  	[tilespmem:s11], [sflag:$0x3] =	stream.linear.gather [hbm4b:s20+s2], $0xC8, $0x38;
	[tilespmem:$0x12110] =	vst v63  }
0x2f: {  	_ =	swait.ge [sflag:s10], $0xC8  }
0x30: {  	[sflag:s10] =	ssyncset.done $0x0  }
0x31: {  	[sflag:s10] =	ssyncadd.s32 $0xFFFFFF38  }
0x32: {  	[tilespmem:s12], [sflag:$0x1] =	stream.indirect.gather [hbm4b:s3+s11], $0xB0, s2, s11, $0xb8;
	[tilespmem:$0x12110] =	vst v63  }
0x33: {  	_ = 	snop  }
0x34: {  	[tilespmem:s13], [sflag:$0x2] =	stream.indirect.gather [hbm4b:s4+s11], $0xC0, s11, s11, $0xb8;
	[tilespmem:$0x12110] =	vst v63  }
0x35: {  	_ =	swait.ge [sflag:s14], $0x8980  }
0x36: {  	[sflag:s14] =	ssyncset.done $0x0  }
0x37: {  	[sflag:s14] =	ssyncadd.s32 $0xFFFF7680  }
0x38: {  	_ =	swait.ge [sflag:s15], $0x9600  }
0x39: {  	[sflag:s15] =	ssyncset.done $0x0  }
0x3a: {  	[sflag:s15] =	ssyncadd.s32 $0xFFFF6A00  }
0x3b: {  	[hbm4b:s18+s2] =	stream.linear.scatter [tilespmem:s12], [sflag:$0x3], $0x8980, $0x38;
	[tilespmem:$0x12110] =	vst v63  }
0x3c: {  	_ =	swait.ge [sflag:s10], $0x8980  }
.Ltmp0:
0x3d: {  	[sflag:s10] =	ssyncset.done $0x0;
	(pc) =	sbr.rel @p0 .LBB2_2-.Ltmp0, $4  }
0x3e: {  	[sflag:s10] =	ssyncadd.s32 $0xFFFF7680  }
0x3f: {  	[hbm4b:s17+s2] =	stream.linear.scatter [tilespmem:s13], [sflag:$0x3], $0x9600, $0x38;
	[tilespmem:$0x12110] =	vst v63  }
0x40: {  	s20 =	smov.u32 s23;
	_ =	swait.ge [sflag:s10], $0x9600  }
0x41: {  	s18 =	sadd.s32 $0x1130, s18;
	s17 =	sadd.s32 $0x12C0, s17;
	[sflag:s10] =	ssyncset.done $0x0  }
0x42: {  	s20 =	sadd.s32 s19, s9;
	[sflag:s10] =	ssyncadd.s32 $0xFFFF6A00  }
0x43: {  	[tilespmem:s2], [sflag:$0x3] =	stream.linear.gather [hbm4b:s20+s2], $0xC8, $0x38;
	[tilespmem:$0x12110] =	vst v63  }
0x44: {  	_ =	swait.ge [sflag:s10], $0xC8  }
0x45: {  	[sflag:s10] =	ssyncset.done $0x0  }
0x46: {  	s31 =	sadd.s32 s19, s8;
	[sflag:s10] =	ssyncadd.s32 $0xFFFFFF38  }
0x47: {  	[tilespmem:s11], [sflag:$0x3] =	stream.linear.gather [hbm4b:s31+s2], $0xC8, $0x38;
	[tilespmem:$0x12110] =	vst v63  }
0x48: {  	_ =	swait.ge [sflag:s10], $0xC8  }
0x49: {  	[sflag:s10] =	ssyncset.done $0x0  }
0x4a: {  	[sflag:s10] =	ssyncadd.s32 $0xFFFFFF38  }
0x4b: {  	[tilespmem:s12], [sflag:$0x1] =	stream.indirect.gather [hbm4b:s3+s11], $0xB0, s2, s11, $0xb8;
	[tilespmem:$0x12110] =	vst v63  }
0x4c: {  	_ = 	snop  }
0x4d: {  	[tilespmem:s13], [sflag:$0x2] =	stream.indirect.gather [hbm4b:s4+s11], $0xC0, s11, s11, $0xb8;
	[tilespmem:$0x12110] =	vst v63  }
0x4e: {  	_ =	swait.ge [sflag:s14], $0x8980  }
0x4f: {  	[sflag:s14] =	ssyncset.done $0x0  }
0x50: {  	[sflag:s14] =	ssyncadd.s32 $0xFFFF7680  }
0x51: {  	_ =	swait.ge [sflag:s15], $0x9600  }
0x52: {  	[sflag:s15] =	ssyncset.done $0x0  }
0x53: {  	[sflag:s15] =	ssyncadd.s32 $0xFFFF6A00  }
0x54: {  	[hbm4b:s18+s2] =	stream.linear.scatter [tilespmem:s12], [sflag:$0x3], $0x8980, $0x38;
	[tilespmem:$0x12110] =	vst v63  }
0x55: {  	s16 =	sadd.s32 $0x1, s16;
	_ =	swait.ge [sflag:s10], $0x8980  }
0x56: {  	p0 =	sne.s32 s16, s5;
	[sflag:s10] =	ssyncset.done $0x0  }
.Ltmp1:
0x57: {  	[sflag:s10] =	ssyncadd.s32 $0xFFFF7680;
	(pc) =	sbr.rel @p0 .LBB2_1-.Ltmp1, $4  }
0x58: {  	[hbm4b:s17+s2] =	stream.linear.scatter [tilespmem:s13], [sflag:$0x3], $0x9600, $0x38;
	[tilespmem:$0x12110] =	vst v63  }
0x59: {  	_ =	swait.ge [sflag:s10], $0x9600  }
0x5a: {  	[sflag:s10] =	ssyncset.done $0x0  }
0x5b: {  	[sflag:s10] =	ssyncadd.s32 $0xFFFF6A00  }
0x5c: {  	_ =	sfence.sel $0x180000  }
0x5d: {  	[bflag:$0x0] =	sbarrier.arrive $0xFFFF  }
0x5e: {  	p0 =	sne.s32 s0, $0x0;
	_ =	strace $0x90000047  }
0x5f: {  	s0 =	sadd.s32 @!p0 $0x100000, s1;
	[bflag:$0x2] =	sbarrier.arrive $0xFFFF  }
0x60: {  	[sflag:s0] =	ssyncadd.tile.s32 @!p0 $0x1;
	_ =	shalt  }
.Lfunc_end2:
_tile_overlayer_lowered:
.L_overlay_start_2:
0x61: {  	(tag) =	ssettag $0x2  }
0x62: {  	s0 =	rddreg [dreg:$0x0];
	s2 =	stileid.u32  }
0x63: {  	s1 =	rddreg [dreg:$0x1];
	p0 =	sne.s32 s2, $0x0  }
0x64: {  	s3 =	rddreg [dreg:$0x2];
	[bflag:$0x3] =	sbarrier.arrive $0xFFFF;
	s2 =	simm.s32 @!p0 $0x1C03  }
0x65: {  	[timem:s3], [sflag:s2] =	dma.local @!p0 [hbm:s0], s1  }
0x66: {  	s0 =	simm.s32 @!p0 $0x3  }
0x67: {  	_ =	swait.ge @!p0 [sflag:s0], s1  }
0x68: {  	s1 =	ssub.s32 @!p0 $0x0, s1;
	[sflag:s0] =	ssyncset.done @!p0 $0x0  }
0x69: {  	[sflag:s0] =	ssyncadd.s32 @!p0 s1  }
0x6a: {  	[bflag:$0x3] =	sbarrier.arrive $0xFFFF  }
0x6b: {  	_ =	shalt  }

</sc_bundles>
